<compile_context>
chip_gen: v7x
topology: tpu7x:2x2x1
jax: 0.10.2.dev20260603
libtpu: 0.0.44.dev20260713+nightly
codegen_flags: <defaults>
</compile_context>

<pallas_src>
import functools

import jax
import jax.numpy as jnp
from jax import lax
from jax.experimental import pallas as pl
from jax.experimental.pallas import tpu as pltpu
from jax.experimental.pallas import tpu_sc as plsc

N = 10000
E = 320000
NC, NS = 2, 16
NW = NC * NS
EW = E // NW
CHUNK = 80
NCH = EW // CHUNK
CH_S = 125
NCH_S = EW // CH_S
NBUF = 4
RPT = N // NS

_MESH = plsc.VectorSubcoreMesh(
    core_axis_name="c", subcore_axis_name="s", num_cores=NC, num_subcores=NS
)


def _hist_body(row_hbm, zeros_hbm, deg0_out, deg1_out, idx_v, ones_v, acc_sh,
               sem):
    c = lax.axis_index("c")
    s = lax.axis_index("s")
    wid = c * NS + s

    @pl.when(s == 0)
    def _():
        pltpu.sync_copy(zeros_hbm, acc_sh)

    for i in range(CHUNK // 16):
        ones_v[pl.ds(i * 16, 16)] = jnp.ones((16,), jnp.float32)
    pltpu.sync_copy(row_hbm.at[wid], idx_v)
    plsc.subcore_barrier()

    def step(j, carry):
        pltpu.sync_copy(ones_v, acc_sh.at[idx_v.at[j]], add=True)
        return carry

    lax.fori_loop(0, NCH, step, 0)
    plsc.subcore_barrier()

    @pl.when((s == 0) & (c == 0))
    def _():
        pltpu.sync_copy(acc_sh, deg0_out)

    @pl.when((s == 0) & (c == 1))
    def _():
        pltpu.sync_copy(acc_sh, deg1_out)


def _histogram(row_r, zeros_n):
    kern = pl.kernel(
        _hist_body,
        out_type=(jax.ShapeDtypeStruct((N,), jnp.float32),
                  jax.ShapeDtypeStruct((N,), jnp.float32)),
        mesh=_MESH,
        scratch_types=[
            pltpu.VMEM((NCH, CHUNK), jnp.int32),
            pltpu.VMEM((CHUNK,), jnp.float32),
            pltpu.VMEM_SHARED((N,), jnp.float32),
            pltpu.SemaphoreType.DMA,
        ],
    )
    return kern(row_r, zeros_n)


_STRIPE = 624


def _scat_body(g_hbm, col_hbm, row_hbm, zeros_hbm, acc_out, colv, rowv,
               b0, b1, b2, b3, acc_sh, s0, s1, s2, s3, *, d):
    c = lax.axis_index("c")
    s = lax.axis_index("s")
    wid = c * NS + s
    bufs = (b0, b1, b2, b3)
    sems = (s0, s1, s2, s3)

    off = s * _STRIPE
    pltpu.sync_copy(zeros_hbm.at[pl.ds(off, _STRIPE)],
                    acc_sh.at[pl.ds(off, _STRIPE)])

    @pl.when(s == NS - 1)
    def _():
        tail = (NS - 1) * _STRIPE + _STRIPE
        pltpu.sync_copy(zeros_hbm.at[pl.ds(tail, N - tail)],
                        acc_sh.at[pl.ds(tail, N - tail)])

    pltpu.sync_copy(col_hbm.at[wid], colv)
    pltpu.sync_copy(row_hbm.at[wid], rowv)
    plsc.subcore_barrier()

    for b in range(NBUF):
        pltpu.async_copy(g_hbm.at[colv.at[b]], bufs[b], sems[b])

    def outer(t, carry):
        for b in range(NBUF):
            j = t * NBUF + b
            pltpu.make_async_copy(g_hbm.at[pl.ds(0, CH_S)], bufs[b],
                                  sems[b]).wait()
            pltpu.sync_copy(bufs[b], acc_sh.at[rowv.at[j]], add=True)

            @pl.when(j + NBUF < NCH_S)
            def _():
                pltpu.async_copy(g_hbm.at[colv.at[j + NBUF]], bufs[b],
                                 sems[b])
        return carry

    lax.fori_loop(0, NCH_S // NBUF, outer, 0)
    plsc.subcore_barrier()
    pltpu.sync_copy(acc_sh.at[pl.ds(off, _STRIPE)],
                    acc_out.at[c, pl.ds(off, _STRIPE)])

    @pl.when(s == NS - 1)
    def _():
        tail = (NS - 1) * _STRIPE + _STRIPE
        pltpu.sync_copy(acc_sh.at[pl.ds(tail, N - tail)],
                        acc_out.at[c, pl.ds(tail, N - tail)])


def _scatter(g, col_r, row_r, zeros_nd, d):
    kern = pl.kernel(
        functools.partial(_scat_body, d=d),
        out_type=jax.ShapeDtypeStruct((NC, N, d), jnp.float32),
        mesh=_MESH,
        scratch_types=[
            pltpu.VMEM((NCH_S, CH_S), jnp.int32),
            pltpu.VMEM((NCH_S, CH_S), jnp.int32),
            pltpu.VMEM((CH_S, d), jnp.float32),
            pltpu.VMEM((CH_S, d), jnp.float32),
            pltpu.VMEM((CH_S, d), jnp.float32),
            pltpu.VMEM((CH_S, d), jnp.float32),
            pltpu.VMEM_SHARED((N, d), jnp.float32),
            pltpu.SemaphoreType.DMA,
            pltpu.SemaphoreType.DMA,
            pltpu.SemaphoreType.DMA,
            pltpu.SemaphoreType.DMA,
        ],
        compiler_params=pltpu.CompilerParams(use_tc_tiling_on_sc=False),
    )
    return kern(g, col_r, row_r, zeros_nd)


_RT = 400


def _mm1_body(x_ref, w_ref, o_ref):
    o_ref[...] = jnp.dot(x_ref[...], w_ref[...],
                         preferred_element_type=jnp.float32)


def _scale_body(d0_ref, d1_ref, h_ref, dis_ref, g_ref):
    deg = d0_ref[...] + d1_ref[...] + 1.0
    dis = lax.rsqrt(deg)
    dis_ref[...] = dis
    g_ref[...] = dis * h_ref[...]


def _l2_body(a0_ref, a1_ref, g_ref, dis_ref, w_ref, o_ref):
    s = dis_ref[...] * (a0_ref[...] + a1_ref[...] + g_ref[...])
    h = jnp.maximum(s, 0.0)
    o_ref[...] = dis_ref[...] * jnp.dot(h, w_ref[...],
                                        preferred_element_type=jnp.float32)


def _fin_body(a0_ref, a1_ref, g_ref, dis_ref, o_ref):
    s = dis_ref[...] * (a0_ref[...] + a1_ref[...] + g_ref[...])
    nrm = jnp.sqrt(jnp.sum(s * s, axis=1, keepdims=True))
    o_ref[...] = s / jnp.maximum(nrm, 1e-7)


def _rows(d):
    return pl.BlockSpec((_RT, d), lambda i: (i, 0))


def kernel(x, edge_index, W1, W2):
    d1 = W1.shape[1]
    d2 = W2.shape[1]
    row_r = edge_index[0].reshape(NW, NCH, CHUNK)
    col_r = edge_index[1].reshape(NW, NCH, CHUNK)
    row_s = edge_index[0].reshape(NW, NCH_S, CH_S)
    col_s = edge_index[1].reshape(NW, NCH_S, CH_S)
    zeros_n = jnp.zeros((N,), jnp.float32)
    zeros_n1 = jnp.zeros((N, d1), jnp.float32)
    zeros_n2 = jnp.zeros((N, d2), jnp.float32)

    deg0, deg1 = _histogram(row_r, zeros_n)

    h1 = pl.pallas_call(
        _mm1_body,
        grid=(N // _RT,),
        in_specs=[pl.BlockSpec((_RT, x.shape[1]), lambda i: (i, 0)),
                  pl.BlockSpec((x.shape[1], d1), lambda i: (0, 0))],
        out_specs=_rows(d1),
        out_shape=jax.ShapeDtypeStruct((N, d1), jnp.float32),
    )(x, W1)

    dis, g1 = pl.pallas_call(
        _scale_body,
        grid=(N // _RT,),
        in_specs=[_rows(1), _rows(1), _rows(d1)],
        out_specs=[_rows(1), _rows(d1)],
        out_shape=[jax.ShapeDtypeStruct((N, 1), jnp.float32),
                   jax.ShapeDtypeStruct((N, d1), jnp.float32)],
    )(deg0[:, None], deg1[:, None], h1)

    acc1 = _scatter(g1, col_s, row_s, zeros_n1, d1)

    g2 = pl.pallas_call(
        _l2_body,
        grid=(N // _RT,),
        in_specs=[_rows(d1), _rows(d1), _rows(d1), _rows(1),
                  pl.BlockSpec((d1, d2), lambda i: (0, 0))],
        out_specs=_rows(d2),
        out_shape=jax.ShapeDtypeStruct((N, d2), jnp.float32),
    )(acc1[0], acc1[1], g1, dis, W2)

    acc2 = _scatter(g2, col_s, row_s, zeros_n2, d2)

    out = pl.pallas_call(
        _fin_body,
        grid=(N // _RT,),
        in_specs=[_rows(d2), _rows(d2), _rows(d2), _rows(1)],
        out_specs=_rows(d2),
        out_shape=jax.ShapeDtypeStruct((N, d2), jnp.float32),
    )(acc2[0], acc2[1], g2, dis)
    return out

# --- scband reference (transcript-rebuilt; emitter-appended) ---
"""Pipeline reference for scband-egae-11510512353896 (READ-ONLY COPY).

The authoritative reference and input builder live on the scoring server;
editing this copy changes nothing except your own understanding.
"""

import jax, jax.numpy as jnp
import numpy as np

N = 10000
E = 320000
D_FEAT = 128
LAYERS = [32, 16]


def _glorot_uniform(key, shape):
    bound = np.sqrt(6.0 / (shape[0] + shape[1]))
    return jax.random.uniform(key, shape, dtype=jnp.float32) * 2.0 * bound - bound


def setup_inputs(seed: int = 0) -> dict:
    key = jax.random.key(seed)
    k1, k2, k3, k4 = jax.random.split(key, 4)
    x = jax.random.normal(k1, (N, D_FEAT), dtype=jnp.float32)
    edge_index = jax.random.randint(k2, (2, E), 0, N, dtype=jnp.int32)
    W1 = _glorot_uniform(k3, (D_FEAT, LAYERS[0]))
    W2 = _glorot_uniform(k4, (LAYERS[0], LAYERS[1]))
    return {"x": x, "edge_index": edge_index, "W1": W1, "W2": W2}


def reference(x, edge_index, W1, W2):
    # Build symmetric-normalized Laplacian L = D^{-1/2} (A + I) D^{-1/2}
    # (original code strips the diagonal of A and adds I; random edges assumed off-diagonal)
    row = edge_index[0]
    col = edge_index[1]
    ones = jnp.ones((row.shape[0],), dtype=jnp.float32)
    deg = jax.ops.segment_sum(ones, row, num_segments=N) + 1.0  # +1 for self loop
    d_inv_sqrt = deg ** -0.5
    w_edge = d_inv_sqrt[row] * d_inv_sqrt[col]
    w_self = d_inv_sqrt * d_inv_sqrt

    def spmm(H):
        # Laplacian.mm(H): gather H[col], weight, scatter-add to row, plus self-loop term
        msg = w_edge[:, None] * jnp.take(H, col, axis=0)
        out = jax.ops.segment_sum(msg, row, num_segments=N)
        return out + w_self[:, None] * H

    # Layer 1: L @ (X @ W1), act = relu
    h = spmm(x @ W1)
    h = jax.nn.relu(h)
    # Layer 2: L @ (H @ W2), final 'act' F.linear treated as identity (as in EGAE usage)
    h = spmm(h @ W2)
    # Row-normalize with epsilon floor
    norm = jnp.linalg.norm(h, axis=1, keepdims=True)
    h = h / jnp.maximum(norm, 1e-7)
    return h

if __name__ == "__main__":
    import jax
    _d = setup_inputs()
    print(jax.jit(kernel)(*tuple(_d.values())))

</pallas_src>

<mosaic_0001>
#map = affine_map<(d0, d1) -> (0, 0, 0)>
#map1 = affine_map<(d0, d1) -> (0)>
module attributes {stable_mosaic.version = 14 : i64} {
  func.func @_hist_body(%arg0: i32, %arg1: i32, %arg2: memref<32x125x80xi32, #tpu.memory_space<hbm>>, %arg3: memref<10000xf32, #tpu.memory_space<hbm>>, %arg4: memref<10000xf32, #tpu.memory_space<hbm>>, %arg5: memref<10000xf32, #tpu.memory_space<hbm>>, %arg6: memref<125x80xi32, #tpu.memory_space<vmem>>, %arg7: memref<80xf32, #tpu.memory_space<vmem>>, %arg8: memref<10000xf32, #tpu.memory_space<vmem_shared>>, %arg9: memref<!tpu.dma_semaphore, #tpu.memory_space<semaphore_mem>>) attributes {dimension_semantics = [#tpu.dimension_semantics<core_parallel>, #tpu.dimension_semantics<subcore_parallel>], iteration_bounds = array<i64: 2, 16>, scalar_prefetch = 0 : i64, scratch_operands = 4 : i64, tpu.core_type = #tpu.core_type<sc_vector_subcore>, window_params = [{transform_indices = #map}, {transform_indices = #map1}, {transform_indices = #map1}, {transform_indices = #map1}]} {
    %mul3A = arith.constant 16 : i32
    %mul3A_0 = arith.muli %arg0, %mul3A : i32
    %add3A = arith.addi %mul3A_0, %arg1 : i32
    %eq3A = arith.constant 0 : i32
    %eq3A_1 = arith.cmpi eq, %arg1, %eq3A : i32
    %convert_element_type3A = arith.extui %eq3A_1 : i1 to i32
    %cond3A = arith.constant 0 : i32
    %cond3A_2 = arith.cmpi ne, %convert_element_type3A, %cond3A : i32
    scf.if %cond3A_2 {
      "tpu.region"() ({
        %run_scoped3A = tpu.sem_alloc : memref<!tpu.dma_semaphore, #tpu.memory_space<semaphore_mem>>
        tpu.enqueue_dma source(%arg3 : memref<10000xf32, #tpu.memory_space<hbm>>) target(%arg8 : memref<10000xf32, #tpu.memory_space<vmem_shared>>) target_semaphore(%run_scoped3A : memref<!tpu.dma_semaphore, #tpu.memory_space<semaphore_mem>>)
        tpu.wait_dma2 semaphore(%run_scoped3A : memref<!tpu.dma_semaphore, #tpu.memory_space<semaphore_mem>>) src(%arg3 : memref<10000xf32, #tpu.memory_space<hbm>>) dst(%arg8 : memref<10000xf32, #tpu.memory_space<vmem_shared>>)
        tpu.yield
      }) : () -> ()
    } else {
    }
    %broadcast_in_dim3A = arith.constant 1.000000e+00 : f32
    %broadcast_in_dim3A_3 = vector.broadcast %broadcast_in_dim3A : f32 to vector<16xf32>
    %swap3A = arith.constant 0 : index
    %swap3A_4 = tpu.vector_load %arg7[%swap3A] {strides = array<i32>} : memref<80xf32, #tpu.memory_space<vmem>>, vector<16xf32>,
    %swap3A_5 = vector.shape_cast %swap3A_4 : vector<16xf32> to vector<16xf32>
    %swap3A_6 = vector.shape_cast %broadcast_in_dim3A_3 : vector<16xf32> to vector<16xf32>
    tpu.vector_store %arg7[%swap3A], %swap3A_6 {strides = array<i32>} : memref<80xf32, #tpu.memory_space<vmem>>, vector<16xf32>,
    %broadcast_in_dim3A_7 = arith.constant 1.000000e+00 : f32
    %broadcast_in_dim3A_8 = vector.broadcast %broadcast_in_dim3A_7 : f32 to vector<16xf32>
    %swap3A_9 = arith.constant 16 : index
    %swap3A_10 = tpu.vector_load %arg7[%swap3A_9] {strides = array<i32>} : memref<80xf32, #tpu.memory_space<vmem>>, vector<16xf32>,
    %swap3A_11 = vector.shape_cast %swap3A_10 : vector<16xf32> to vector<16xf32>
    %swap3A_12 = vector.shape_cast %broadcast_in_dim3A_8 : vector<16xf32> to vector<16xf32>
    tpu.vector_store %arg7[%swap3A_9], %swap3A_12 {strides = array<i32>} : memref<80xf32, #tpu.memory_space<vmem>>, vector<16xf32>,
    %broadcast_in_dim3A_13 = arith.constant 1.000000e+00 : f32
    %broadcast_in_dim3A_14 = vector.broadcast %broadcast_in_dim3A_13 : f32 to vector<16xf32>
    %swap3A_15 = arith.constant 32 : index
    %swap3A_16 = tpu.vector_load %arg7[%swap3A_15] {strides = array<i32>} : memref<80xf32, #tpu.memory_space<vmem>>, vector<16xf32>,
    %swap3A_17 = vector.shape_cast %swap3A_16 : vector<16xf32> to vector<16xf32>
    %swap3A_18 = vector.shape_cast %broadcast_in_dim3A_14 : vector<16xf32> to vector<16xf32>
    tpu.vector_store %arg7[%swap3A_15], %swap3A_18 {strides = array<i32>} : memref<80xf32, #tpu.memory_space<vmem>>, vector<16xf32>,
    %broadcast_in_dim3A_19 = arith.constant 1.000000e+00 : f32
    %broadcast_in_dim3A_20 = vector.broadcast %broadcast_in_dim3A_19 : f32 to vector<16xf32>
    %swap3A_21 = arith.constant 48 : index
    %swap3A_22 = tpu.vector_load %arg7[%swap3A_21] {strides = array<i32>} : memref<80xf32, #tpu.memory_space<vmem>>, vector<16xf32>,
    %swap3A_23 = vector.shape_cast %swap3A_22 : vector<16xf32> to vector<16xf32>
    %swap3A_24 = vector.shape_cast %broadcast_in_dim3A_20 : vector<16xf32> to vector<16xf32>
    tpu.vector_store %arg7[%swap3A_21], %swap3A_24 {strides = array<i32>} : memref<80xf32, #tpu.memory_space<vmem>>, vector<16xf32>,
    %broadcast_in_dim3A_25 = arith.constant 1.000000e+00 : f32
    %broadcast_in_dim3A_26 = vector.broadcast %broadcast_in_dim3A_25 : f32 to vector<16xf32>
    %swap3A_27 = arith.constant 64 : index
    %swap3A_28 = tpu.vector_load %arg7[%swap3A_27] {strides = array<i32>} : memref<80xf32, #tpu.memory_space<vmem>>, vector<16xf32>,
    %swap3A_29 = vector.shape_cast %swap3A_28 : vector<16xf32> to vector<16xf32>
    %swap3A_30 = vector.shape_cast %broadcast_in_dim3A_26 : vector<16xf32> to vector<16xf32>
    tpu.vector_store %arg7[%swap3A_27], %swap3A_30 {strides = array<i32>} : memref<80xf32, #tpu.memory_space<vmem>>, vector<16xf32>,
    "tpu.region"() ({
      %run_scoped3A = tpu.sem_alloc : memref<!tpu.dma_semaphore, #tpu.memory_space<semaphore_mem>>
      %dma_start3A = arith.constant 0 : i32
      %dma_start3A_52 = arith.constant 0 : i32
      %dma_start3A_53 = tpu.memref_slice %arg2[%add3A, %dma_start3A, %dma_start3A_52] : memref<32x125x80xi32, #tpu.memory_space<hbm>> -> memref<1x125x80xi32, #tpu.memory_space<hbm>>
      %dma_start3A_54 = tpu.memref_squeeze %dma_start3A_53 : memref<1x125x80xi32, #tpu.memory_space<hbm>> -> memref<125x80xi32, #tpu.memory_space<hbm>>
      %dma_start3A_55 = arith.constant 0 : i32
      %dma_start3A_56 = arith.constant 0 : i32
      %dma_start3A_57 = tpu.memref_slice %arg2[%add3A, %dma_start3A_55, %dma_start3A_56] : memref<32x125x80xi32, #tpu.memory_space<hbm>> -> memref<1x125x80xi32, #tpu.memory_space<hbm>>
      %dma_start3A_58 = tpu.memref_squeeze %dma_start3A_57 : memref<1x125x80xi32, #tpu.memory_space<hbm>> -> memref<125x80xi32, #tpu.memory_space<hbm>>
      tpu.enqueue_dma source(%dma_start3A_58 : memref<125x80xi32, #tpu.memory_space<hbm>>) target(%arg6 : memref<125x80xi32, #tpu.memory_space<vmem>>) target_semaphore(%run_scoped3A : memref<!tpu.dma_semaphore, #tpu.memory_space<semaphore_mem>>)
      %dma_wait3A = arith.constant 0 : i32
      %dma_wait3A_59 = arith.constant 0 : i32
      %dma_wait3A_60 = tpu.memref_slice %arg2[%add3A, %dma_wait3A, %dma_wait3A_59] : memref<32x125x80xi32, #tpu.memory_space<hbm>> -> memref<1x125x80xi32, #tpu.memory_space<hbm>>
      %dma_wait3A_61 = tpu.memref_squeeze %dma_wait3A_60 : memref<1x125x80xi32, #tpu.memory_space<hbm>> -> memref<125x80xi32, #tpu.memory_space<hbm>>
      %dma_wait3A_62 = arith.constant 0 : i32
      %dma_wait3A_63 = arith.constant 0 : i32
      %dma_wait3A_64 = tpu.memref_slice %arg2[%add3A, %dma_wait3A_62, %dma_wait3A_63] : memref<32x125x80xi32, #tpu.memory_space<hbm>> -> memref<1x125x80xi32, #tpu.memory_space<hbm>>
      %dma_wait3A_65 = tpu.memref_squeeze %dma_wait3A_64 : memref<1x125x80xi32, #tpu.memory_space<hbm>> -> memref<125x80xi32, #tpu.memory_space<hbm>>
      tpu.wait_dma2 semaphore(%run_scoped3A : memref<!tpu.dma_semaphore, #tpu.memory_space<semaphore_mem>>) src(%dma_wait3A_65 : memref<125x80xi32, #tpu.memory_space<hbm>>) dst(%arg6 : memref<125x80xi32, #tpu.memory_space<vmem>>)
      tpu.yield
    }) : () -> ()
    %barrier3A = arith.constant 0 : index
    tpu.barrier barrier_id(%barrier3A)
    %scan3A = arith.constant 0 : i32
    %scan3A_31 = arith.constant 0 : i32
    %scan3A_32 = arith.constant 125 : i32
    %scan3A_33 = arith.addi %scan3A_31, %scan3A_32 : i32
    %scan3A_34 = arith.constant 1 : i32
    scf.for %scan3A_52 = %scan3A_31 to %scan3A_33 step %scan3A_34  : i32 {
      "tpu.region"() ({
        %run_scoped3A = tpu.sem_alloc : memref<!tpu.dma_semaphore, #tpu.memory_space<semaphore_mem>>
        %dma_start3A = arith.constant 0 : i32
        %dma_start3A_53 = tpu.memref_slice %arg6[%scan3A_52, %dma_start3A] : memref<125x80xi32, #tpu.memory_space<vmem>> -> memref<1x80xi32, #tpu.memory_space<vmem>>
        %dma_start3A_54 = tpu.memref_squeeze %dma_start3A_53 : memref<1x80xi32, #tpu.memory_space<vmem>> -> memref<80xi32, #tpu.memory_space<vmem>>
        %dma_start3A_55 = arith.constant 0 : i32
        %dma_start3A_56 = tpu.memref_slice %arg8[%dma_start3A_55] : memref<10000xf32, #tpu.memory_space<vmem_shared>> -> memref<10000xf32, #tpu.memory_space<vmem_shared>>
        tpu.enqueue_indirect_dma source(%arg7 : memref<80xf32, #tpu.memory_space<vmem>>) target(%dma_start3A_56 : memref<10000xf32, #tpu.memory_space<vmem_shared>>) offsets(%dma_start3A_54 : memref<80xi32, #tpu.memory_space<vmem>>) semaphore(%run_scoped3A : memref<!tpu.dma_semaphore, #tpu.memory_space<semaphore_mem>>) {add = true}
        %dma_wait3A = arith.constant 0 : i32
        %dma_wait3A_57 = tpu.memref_slice %arg6[%scan3A_52, %dma_wait3A] : memref<125x80xi32, #tpu.memory_space<vmem>> -> memref<1x80xi32, #tpu.memory_space<vmem>>
        %dma_wait3A_58 = tpu.memref_squeeze %dma_wait3A_57 : memref<1x80xi32, #tpu.memory_space<vmem>> -> memref<80xi32, #tpu.memory_space<vmem>>
        %dma_wait3A_59 = arith.constant 0 : i32
        %dma_wait3A_60 = tpu.memref_slice %arg8[%dma_wait3A_59] : memref<10000xf32, #tpu.memory_space<vmem_shared>> -> memref<10000xf32, #tpu.memory_space<vmem_shared>>
        tpu.wait_indirect_dma semaphore(%run_scoped3A : memref<!tpu.dma_semaphore, #tpu.memory_space<semaphore_mem>>) src(%arg7 : memref<80xf32, #tpu.memory_space<vmem>>) dst(%dma_wait3A_60 : memref<10000xf32, #tpu.memory_space<vmem_shared>>)
        tpu.yield
      }) : () -> ()
    }
    %scan3A_35 = arith.constant 125 : i32
    %barrier3A_36 = arith.constant 0 : index
    tpu.barrier barrier_id(%barrier3A_36)
    %eq3A_37 = arith.constant 0 : i32
    %eq3A_38 = arith.cmpi eq, %arg1, %eq3A_37 : i32
    %eq3A_39 = arith.constant 0 : i32
    %eq3A_40 = arith.cmpi eq, %arg0, %eq3A_39 : i32
    %and3A = arith.andi %eq3A_38, %eq3A_40 : i1
    %convert_element_type3A_41 = arith.extui %and3A : i1 to i32
    %cond3A_42 = arith.constant 0 : i32
    %cond3A_43 = arith.cmpi ne, %convert_element_type3A_41, %cond3A_42 : i32
    scf.if %cond3A_43 {
      "tpu.region"() ({
        %run_scoped3A = tpu.sem_alloc : memref<!tpu.dma_semaphore, #tpu.memory_space<semaphore_mem>>
        tpu.enqueue_dma source(%arg8 : memref<10000xf32, #tpu.memory_space<vmem_shared>>) target(%arg4 : memref<10000xf32, #tpu.memory_space<hbm>>) target_semaphore(%run_scoped3A : memref<!tpu.dma_semaphore, #tpu.memory_space<semaphore_mem>>)
        tpu.wait_dma2 semaphore(%run_scoped3A : memref<!tpu.dma_semaphore, #tpu.memory_space<semaphore_mem>>) src(%arg8 : memref<10000xf32, #tpu.memory_space<vmem_shared>>) dst(%arg4 : memref<10000xf32, #tpu.memory_space<hbm>>)
        tpu.yield
      }) : () -> ()
    } else {
    }
    %eq3A_44 = arith.constant 0 : i32
    %eq3A_45 = arith.cmpi eq, %arg1, %eq3A_44 : i32
    %eq3A_46 = arith.constant 1 : i32
    %eq3A_47 = arith.cmpi eq, %arg0, %eq3A_46 : i32
    %and3A_48 = arith.andi %eq3A_45, %eq3A_47 : i1
    %convert_element_type3A_49 = arith.extui %and3A_48 : i1 to i32
    %cond3A_50 = arith.constant 0 : i32
    %cond3A_51 = arith.cmpi ne, %convert_element_type3A_49, %cond3A_50 : i32
    scf.if %cond3A_51 {
      "tpu.region"() ({
        %run_scoped3A = tpu.sem_alloc : memref<!tpu.dma_semaphore, #tpu.memory_space<semaphore_mem>>
        tpu.enqueue_dma source(%arg8 : memref<10000xf32, #tpu.memory_space<vmem_shared>>) target(%arg5 : memref<10000xf32, #tpu.memory_space<hbm>>) target_semaphore(%run_scoped3A : memref<!tpu.dma_semaphore, #tpu.memory_space<semaphore_mem>>)
        tpu.wait_dma2 semaphore(%run_scoped3A : memref<!tpu.dma_semaphore, #tpu.memory_space<semaphore_mem>>) src(%arg8 : memref<10000xf32, #tpu.memory_space<vmem_shared>>) dst(%arg5 : memref<10000xf32, #tpu.memory_space<hbm>>)
        tpu.yield
      }) : () -> ()
    } else {
    }
    return
  }
}

#map = affine_map<(d0, d1) -> (0, 0)>
#map1 = affine_map<(d0, d1) -> (0, 0, 0)>
module attributes {stable_mosaic.version = 14 : i64} {
  func.func @_scat_body(%arg0: i32, %arg1: i32, %arg2: memref<10000x16xf32, #tpu.memory_space<hbm>>, %arg3: memref<32x80x125xi32, #tpu.memory_space<hbm>>, %arg4: memref<32x80x125xi32, #tpu.memory_space<hbm>>, %arg5: memref<10000x16xf32, #tpu.memory_space<hbm>>, %arg6: memref<2x10000x16xf32, #tpu.memory_space<hbm>>, %arg7: memref<80x125xi32, #tpu.memory_space<vmem>>, %arg8: memref<80x125xi32, #tpu.memory_space<vmem>>, %arg9: memref<125x16xf32, #tpu.memory_space<vmem>>, %arg10: memref<125x16xf32, #tpu.memory_space<vmem>>, %arg11: memref<125x16xf32, #tpu.memory_space<vmem>>, %arg12: memref<125x16xf32, #tpu.memory_space<vmem>>, %arg13: memref<10000x16xf32, #tpu.memory_space<vmem_shared>>, %arg14: memref<!tpu.dma_semaphore, #tpu.memory_space<semaphore_mem>>, %arg15: memref<!tpu.dma_semaphore, #tpu.memory_space<semaphore_mem>>, %arg16: memref<!tpu.dma_semaphore, #tpu.memory_space<semaphore_mem>>, %arg17: memref<!tpu.dma_semaphore, #tpu.memory_space<semaphore_mem>>) attributes {dimension_semantics = [#tpu.dimension_semantics<core_parallel>, #tpu.dimension_semantics<subcore_parallel>], iteration_bounds = array<i64: 2, 16>, scalar_prefetch = 0 : i64, scratch_operands = 11 : i64, tpu.core_type = #tpu.core_type<sc_vector_subcore>, window_params = [{transform_indices = #map}, {transform_indices = #map1}, {transform_indices = #map1}, {transform_indices = #map}, {transform_indices = #map1}]} {
    %mul3A = arith.constant 16 : i32
    %mul3A_0 = arith.muli %arg0, %mul3A : i32
    %add3A = arith.addi %mul3A_0, %arg1 : i32
    %mul3A_1 = arith.constant 624 : i32
    %mul3A_2 = arith.muli %arg1, %mul3A_1 : i32
    "tpu.region"() ({
      %run_scoped3A = tpu.sem_alloc : memref<!tpu.dma_semaphore, #tpu.memory_space<semaphore_mem>>
      %dma_start3A_43 = arith.constant 0 : i32
      %dma_start3A_44 = tpu.memref_slice %arg13[%mul3A_2, %dma_start3A_43] : memref<10000x16xf32, #tpu.memory_space<vmem_shared>> -> memref<624x16xf32, #tpu.memory_space<vmem_shared>>
      %dma_start3A_45 = arith.constant 0 : i32
      %dma_start3A_46 = tpu.memref_slice %arg5[%mul3A_2, %dma_start3A_45] : memref<10000x16xf32, #tpu.memory_space<hbm>> -> memref<624x16xf32, #tpu.memory_space<hbm>>
      tpu.enqueue_dma source(%dma_start3A_46 : memref<624x16xf32, #tpu.memory_space<hbm>>) target(%dma_start3A_44 : memref<624x16xf32, #tpu.memory_space<vmem_shared>>) target_semaphore(%run_scoped3A : memref<!tpu.dma_semaphore, #tpu.memory_space<semaphore_mem>>)
      %dma_wait3A = arith.constant 0 : i32
      %dma_wait3A_47 = tpu.memref_slice %arg13[%mul3A_2, %dma_wait3A] : memref<10000x16xf32, #tpu.memory_space<vmem_shared>> -> memref<624x16xf32, #tpu.memory_space<vmem_shared>>
      %dma_wait3A_48 = arith.constant 0 : i32
      %dma_wait3A_49 = tpu.memref_slice %arg5[%mul3A_2, %dma_wait3A_48] : memref<10000x16xf32, #tpu.memory_space<hbm>> -> memref<624x16xf32, #tpu.memory_space<hbm>>
      tpu.wait_dma2 semaphore(%run_scoped3A : memref<!tpu.dma_semaphore, #tpu.memory_space<semaphore_mem>>) src(%dma_wait3A_49 : memref<624x16xf32, #tpu.memory_space<hbm>>) dst(%dma_wait3A_47 : memref<624x16xf32, #tpu.memory_space<vmem_shared>>)
      tpu.yield
    }) : () -> ()
    %eq3A = arith.constant 15 : i32
    %eq3A_3 = arith.cmpi eq, %arg1, %eq3A : i32
    %convert_element_type3A = arith.extui %eq3A_3 : i1 to i32
    %cond3A = arith.constant 0 : i32
    %cond3A_4 = arith.cmpi ne, %convert_element_type3A, %cond3A : i32
    scf.if %cond3A_4 {
      "tpu.region"() ({
        %run_scoped3A = tpu.sem_alloc : memref<!tpu.dma_semaphore, #tpu.memory_space<semaphore_mem>>
        %dma_start3A_43 = arith.constant 9984 : i32
        %dma_start3A_44 = arith.constant 0 : i32
        %dma_start3A_45 = tpu.memref_slice %arg13[%dma_start3A_43, %dma_start3A_44] : memref<10000x16xf32, #tpu.memory_space<vmem_shared>> -> memref<16x16xf32, #tpu.memory_space<vmem_shared>>
        %dma_start3A_46 = arith.constant 9984 : i32
        %dma_start3A_47 = arith.constant 0 : i32
        %dma_start3A_48 = tpu.memref_slice %arg5[%dma_start3A_46, %dma_start3A_47] : memref<10000x16xf32, #tpu.memory_space<hbm>> -> memref<16x16xf32, #tpu.memory_space<hbm>>
        tpu.enqueue_dma source(%dma_start3A_48 : memref<16x16xf32, #tpu.memory_space<hbm>>) target(%dma_start3A_45 : memref<16x16xf32, #tpu.memory_space<vmem_shared>>) target_semaphore(%run_scoped3A : memref<!tpu.dma_semaphore, #tpu.memory_space<semaphore_mem>>)
        %dma_wait3A = arith.constant 9984 : i32
        %dma_wait3A_49 = arith.constant 0 : i32
        %dma_wait3A_50 = tpu.memref_slice %arg13[%dma_wait3A, %dma_wait3A_49] : memref<10000x16xf32, #tpu.memory_space<vmem_shared>> -> memref<16x16xf32, #tpu.memory_space<vmem_shared>>
        %dma_wait3A_51 = arith.constant 9984 : i32
        %dma_wait3A_52 = arith.constant 0 : i32
        %dma_wait3A_53 = tpu.memref_slice %arg5[%dma_wait3A_51, %dma_wait3A_52] : memref<10000x16xf32, #tpu.memory_space<hbm>> -> memref<16x16xf32, #tpu.memory_space<hbm>>
        tpu.wait_dma2 semaphore(%run_scoped3A : memref<!tpu.dma_semaphore, #tpu.memory_space<semaphore_mem>>) src(%dma_wait3A_53 : memref<16x16xf32, #tpu.memory_space<hbm>>) dst(%dma_wait3A_50 : memref<16x16xf32, #tpu.memory_space<vmem_shared>>)
        tpu.yield
      }) : () -> ()
    } else {
    }
    "tpu.region"() ({
      %run_scoped3A = tpu.sem_alloc : memref<!tpu.dma_semaphore, #tpu.memory_space<semaphore_mem>>
      %dma_start3A_43 = arith.constant 0 : i32
      %dma_start3A_44 = arith.constant 0 : i32
      %dma_start3A_45 = tpu.memref_slice %arg3[%add3A, %dma_start3A_43, %dma_start3A_44] : memref<32x80x125xi32, #tpu.memory_space<hbm>> -> memref<1x80x125xi32, #tpu.memory_space<hbm>>
      %dma_start3A_46 = tpu.memref_squeeze %dma_start3A_45 : memref<1x80x125xi32, #tpu.memory_space<hbm>> -> memref<80x125xi32, #tpu.memory_space<hbm>>
      %dma_start3A_47 = arith.constant 0 : i32
      %dma_start3A_48 = arith.constant 0 : i32
      %dma_start3A_49 = tpu.memref_slice %arg3[%add3A, %dma_start3A_47, %dma_start3A_48] : memref<32x80x125xi32, #tpu.memory_space<hbm>> -> memref<1x80x125xi32, #tpu.memory_space<hbm>>
      %dma_start3A_50 = tpu.memref_squeeze %dma_start3A_49 : memref<1x80x125xi32, #tpu.memory_space<hbm>> -> memref<80x125xi32, #tpu.memory_space<hbm>>
      tpu.enqueue_dma source(%dma_start3A_50 : memref<80x125xi32, #tpu.memory_space<hbm>>) target(%arg7 : memref<80x125xi32, #tpu.memory_space<vmem>>) target_semaphore(%run_scoped3A : memref<!tpu.dma_semaphore, #tpu.memory_space<semaphore_mem>>)
      %dma_wait3A = arith.constant 0 : i32
      %dma_wait3A_51 = arith.constant 0 : i32
      %dma_wait3A_52 = tpu.memref_slice %arg3[%add3A, %dma_wait3A, %dma_wait3A_51] : memref<32x80x125xi32, #tpu.memory_space<hbm>> -> memref<1x80x125xi32, #tpu.memory_space<hbm>>
      %dma_wait3A_53 = tpu.memref_squeeze %dma_wait3A_52 : memref<1x80x125xi32, #tpu.memory_space<hbm>> -> memref<80x125xi32, #tpu.memory_space<hbm>>
      %dma_wait3A_54 = arith.constant 0 : i32
      %dma_wait3A_55 = arith.constant 0 : i32
      %dma_wait3A_56 = tpu.memref_slice %arg3[%add3A, %dma_wait3A_54, %dma_wait3A_55] : memref<32x80x125xi32, #tpu.memory_space<hbm>> -> memref<1x80x125xi32, #tpu.memory_space<hbm>>
      %dma_wait3A_57 = tpu.memref_squeeze %dma_wait3A_56 : memref<1x80x125xi32, #tpu.memory_space<hbm>> -> memref<80x125xi32, #tpu.memory_space<hbm>>
      tpu.wait_dma2 semaphore(%run_scoped3A : memref<!tpu.dma_semaphore, #tpu.memory_space<semaphore_mem>>) src(%dma_wait3A_57 : memref<80x125xi32, #tpu.memory_space<hbm>>) dst(%arg7 : memref<80x125xi32, #tpu.memory_space<vmem>>)
      tpu.yield
    }) : () -> ()
    "tpu.region"() ({
      %run_scoped3A = tpu.sem_alloc : memref<!tpu.dma_semaphore, #tpu.memory_space<semaphore_mem>>
      %dma_start3A_43 = arith.constant 0 : i32
      %dma_start3A_44 = arith.constant 0 : i32
      %dma_start3A_45 = tpu.memref_slice %arg4[%add3A, %dma_start3A_43, %dma_start3A_44] : memref<32x80x125xi32, #tpu.memory_space<hbm>> -> memref<1x80x125xi32, #tpu.memory_space<hbm>>
      %dma_start3A_46 = tpu.memref_squeeze %dma_start3A_45 : memref<1x80x125xi32, #tpu.memory_space<hbm>> -> memref<80x125xi32, #tpu.memory_space<hbm>>
      %dma_start3A_47 = arith.constant 0 : i32
      %dma_start3A_48 = arith.constant 0 : i32
      %dma_start3A_49 = tpu.memref_slice %arg4[%add3A, %dma_start3A_47, %dma_start3A_48] : memref<32x80x125xi32, #tpu.memory_space<hbm>> -> memref<1x80x125xi32, #tpu.memory_space<hbm>>
      %dma_start3A_50 = tpu.memref_squeeze %dma_start3A_49 : memref<1x80x125xi32, #tpu.memory_space<hbm>> -> memref<80x125xi32, #tpu.memory_space<hbm>>
      tpu.enqueue_dma source(%dma_start3A_50 : memref<80x125xi32, #tpu.memory_space<hbm>>) target(%arg8 : memref<80x125xi32, #tpu.memory_space<vmem>>) target_semaphore(%run_scoped3A : memref<!tpu.dma_semaphore, #tpu.memory_space<semaphore_mem>>)
      %dma_wait3A = arith.constant 0 : i32
      %dma_wait3A_51 = arith.constant 0 : i32
      %dma_wait3A_52 = tpu.memref_slice %arg4[%add3A, %dma_wait3A, %dma_wait3A_51] : memref<32x80x125xi32, #tpu.memory_space<hbm>> -> memref<1x80x125xi32, #tpu.memory_space<hbm>>
      %dma_wait3A_53 = tpu.memref_squeeze %dma_wait3A_52 : memref<1x80x125xi32, #tpu.memory_space<hbm>> -> memref<80x125xi32, #tpu.memory_space<hbm>>
      %dma_wait3A_54 = arith.constant 0 : i32
      %dma_wait3A_55 = arith.constant 0 : i32
      %dma_wait3A_56 = tpu.memref_slice %arg4[%add3A, %dma_wait3A_54, %dma_wait3A_55] : memref<32x80x125xi32, #tpu.memory_space<hbm>> -> memref<1x80x125xi32, #tpu.memory_space<hbm>>
      %dma_wait3A_57 = tpu.memref_squeeze %dma_wait3A_56 : memref<1x80x125xi32, #tpu.memory_space<hbm>> -> memref<80x125xi32, #tpu.memory_space<hbm>>
      tpu.wait_dma2 semaphore(%run_scoped3A : memref<!tpu.dma_semaphore, #tpu.memory_space<semaphore_mem>>) src(%dma_wait3A_57 : memref<80x125xi32, #tpu.memory_space<hbm>>) dst(%arg8 : memref<80x125xi32, #tpu.memory_space<vmem>>)
      tpu.yield
    }) : () -> ()
    %barrier3A = arith.constant 0 : index
    tpu.barrier barrier_id(%barrier3A)
    %dma_start3A = arith.constant 0 : i32
    %dma_start3A_5 = arith.constant 0 : i32
    %dma_start3A_6 = tpu.memref_slice %arg7[%dma_start3A, %dma_start3A_5] : memref<80x125xi32, #tpu.memory_space<vmem>> -> memref<1x125xi32, #tpu.memory_space<vmem>>
    %dma_start3A_7 = tpu.memref_squeeze %dma_start3A_6 : memref<1x125xi32, #tpu.memory_space<vmem>> -> memref<125xi32, #tpu.memory_space<vmem>>
    %dma_start3A_8 = arith.constant 0 : i32
    %dma_start3A_9 = arith.constant 0 : i32
    %dma_start3A_10 = tpu.memref_slice %arg2[%dma_start3A_8, %dma_start3A_9] : memref<10000x16xf32, #tpu.memory_space<hbm>> -> memref<10000x16xf32, #tpu.memory_space<hbm>>
    tpu.enqueue_indirect_dma source(%dma_start3A_10 : memref<10000x16xf32, #tpu.memory_space<hbm>>) target(%arg9 : memref<125x16xf32, #tpu.memory_space<vmem>>) offsets(%dma_start3A_7 : memref<125xi32, #tpu.memory_space<vmem>>) semaphore(%arg14 : memref<!tpu.dma_semaphore, #tpu.memory_space<semaphore_mem>>)
    %dma_start3A_11 = arith.constant 1 : i32
    %dma_start3A_12 = arith.constant 0 : i32
    %dma_start3A_13 = tpu.memref_slice %arg7[%dma_start3A_11, %dma_start3A_12] : memref<80x125xi32, #tpu.memory_space<vmem>> -> memref<1x125xi32, #tpu.memory_space<vmem>>
    %dma_start3A_14 = tpu.memref_squeeze %dma_start3A_13 : memref<1x125xi32, #tpu.memory_space<vmem>> -> memref<125xi32, #tpu.memory_space<vmem>>
    %dma_start3A_15 = arith.constant 0 : i32
    %dma_start3A_16 = arith.constant 0 : i32
    %dma_start3A_17 = tpu.memref_slice %arg2[%dma_start3A_15, %dma_start3A_16] : memref<10000x16xf32, #tpu.memory_space<hbm>> -> memref<10000x16xf32, #tpu.memory_space<hbm>>
    tpu.enqueue_indirect_dma source(%dma_start3A_17 : memref<10000x16xf32, #tpu.memory_space<hbm>>) target(%arg10 : memref<125x16xf32, #tpu.memory_space<vmem>>) offsets(%dma_start3A_14 : memref<125xi32, #tpu.memory_space<vmem>>) semaphore(%arg15 : memref<!tpu.dma_semaphore, #tpu.memory_space<semaphore_mem>>)
    %dma_start3A_18 = arith.constant 2 : i32
    %dma_start3A_19 = arith.constant 0 : i32
    %dma_start3A_20 = tpu.memref_slice %arg7[%dma_start3A_18, %dma_start3A_19] : memref<80x125xi32, #tpu.memory_space<vmem>> -> memref<1x125xi32, #tpu.memory_space<vmem>>
    %dma_start3A_21 = tpu.memref_squeeze %dma_start3A_20 : memref<1x125xi32, #tpu.memory_space<vmem>> -> memref<125xi32, #tpu.memory_space<vmem>>
    %dma_start3A_22 = arith.constant 0 : i32
    %dma_start3A_23 = arith.constant 0 : i32
    %dma_start3A_24 = tpu.memref_slice %arg2[%dma_start3A_22, %dma_start3A_23] : memref<10000x16xf32, #tpu.memory_space<hbm>> -> memref<10000x16xf32, #tpu.memory_space<hbm>>
    tpu.enqueue_indirect_dma source(%dma_start3A_24 : memref<10000x16xf32, #tpu.memory_space<hbm>>) target(%arg11 : memref<125x16xf32, #tpu.memory_space<vmem>>) offsets(%dma_start3A_21 : memref<125xi32, #tpu.memory_space<vmem>>) semaphore(%arg16 : memref<!tpu.dma_semaphore, #tpu.memory_space<semaphore_mem>>)
    %dma_start3A_25 = arith.constant 3 : i32
    %dma_start3A_26 = arith.constant 0 : i32
    %dma_start3A_27 = tpu.memref_slice %arg7[%dma_start3A_25, %dma_start3A_26] : memref<80x125xi32, #tpu.memory_space<vmem>> -> memref<1x125xi32, #tpu.memory_space<vmem>>
    %dma_start3A_28 = tpu.memref_squeeze %dma_start3A_27 : memref<1x125xi32, #tpu.memory_space<vmem>> -> memref<125xi32, #tpu.memory_space<vmem>>
    %dma_start3A_29 = arith.constant 0 : i32
    %dma_start3A_30 = arith.constant 0 : i32
    %dma_start3A_31 = tpu.memref_slice %arg2[%dma_start3A_29, %dma_start3A_30] : memref<10000x16xf32, #tpu.memory_space<hbm>> -> memref<10000x16xf32, #tpu.memory_space<hbm>>
    tpu.enqueue_indirect_dma source(%dma_start3A_31 : memref<10000x16xf32, #tpu.memory_space<hbm>>) target(%arg12 : memref<125x16xf32, #tpu.memory_space<vmem>>) offsets(%dma_start3A_28 : memref<125xi32, #tpu.memory_space<vmem>>) semaphore(%arg17 : memref<!tpu.dma_semaphore, #tpu.memory_space<semaphore_mem>>)
    %scan3A = arith.constant 0 : i32
    %scan3A_32 = arith.constant 0 : i32
    %scan3A_33 = arith.constant 20 : i32
    %scan3A_34 = arith.addi %scan3A_32, %scan3A_33 : i32
    %scan3A_35 = arith.constant 1 : i32
    scf.for %scan3A_43 = %scan3A_32 to %scan3A_34 step %scan3A_35  : i32 {
      %mul3A_44 = arith.constant 4 : i32
      %mul3A_45 = arith.muli %scan3A_43, %mul3A_44 : i32
      %add3A_46 = arith.constant 0 : i32
      %add3A_47 = arith.addi %mul3A_45, %add3A_46 : i32
      %dma_wait3A = arith.constant 0 : i32
      %dma_wait3A_48 = arith.constant 0 : i32
      %dma_wait3A_49 = tpu.memref_slice %arg2[%dma_wait3A, %dma_wait3A_48] : memref<10000x16xf32, #tpu.memory_space<hbm>> -> memref<125x16xf32, #tpu.memory_space<hbm>>
      %dma_wait3A_50 = arith.constant 0 : i32
      %dma_wait3A_51 = arith.constant 0 : i32
      %dma_wait3A_52 = tpu.memref_slice %arg2[%dma_wait3A_50, %dma_wait3A_51] : memref<10000x16xf32, #tpu.memory_space<hbm>> -> memref<125x16xf32, #tpu.memory_space<hbm>>
      tpu.wait_dma2 semaphore(%arg14 : memref<!tpu.dma_semaphore, #tpu.memory_space<semaphore_mem>>) src(%dma_wait3A_52 : memref<125x16xf32, #tpu.memory_space<hbm>>) dst(%arg9 : memref<125x16xf32, #tpu.memory_space<vmem>>)
      "tpu.region"() ({
        %run_scoped3A = tpu.sem_alloc : memref<!tpu.dma_semaphore, #tpu.memory_space<semaphore_mem>>
        %dma_start3A_110 = arith.constant 0 : i32
        %dma_start3A_111 = tpu.memref_slice %arg8[%add3A_47, %dma_start3A_110] : memref<80x125xi32, #tpu.memory_space<vmem>> -> memref<1x125xi32, #tpu.memory_space<vmem>>
        %dma_start3A_112 = tpu.memref_squeeze %dma_start3A_111 : memref<1x125xi32, #tpu.memory_space<vmem>> -> memref<125xi32, #tpu.memory_space<vmem>>
        %dma_start3A_113 = arith.constant 0 : i32
        %dma_start3A_114 = arith.constant 0 : i32
        %dma_start3A_115 = tpu.memref_slice %arg13[%dma_start3A_113, %dma_start3A_114] : memref<10000x16xf32, #tpu.memory_space<vmem_shared>> -> memref<10000x16xf32, #tpu.memory_space<vmem_shared>>
        tpu.enqueue_indirect_dma source(%arg9 : memref<125x16xf32, #tpu.memory_space<vmem>>) target(%dma_start3A_115 : memref<10000x16xf32, #tpu.memory_space<vmem_shared>>) offsets(%dma_start3A_112 : memref<125xi32, #tpu.memory_space<vmem>>) semaphore(%run_scoped3A : memref<!tpu.dma_semaphore, #tpu.memory_space<semaphore_mem>>) {add = true}
        %dma_wait3A_116 = arith.constant 0 : i32
        %dma_wait3A_117 = tpu.memref_slice %arg8[%add3A_47, %dma_wait3A_116] : memref<80x125xi32, #tpu.memory_space<vmem>> -> memref<1x125xi32, #tpu.memory_space<vmem>>
        %dma_wait3A_118 = tpu.memref_squeeze %dma_wait3A_117 : memref<1x125xi32, #tpu.memory_space<vmem>> -> memref<125xi32, #tpu.memory_space<vmem>>
        %dma_wait3A_119 = arith.constant 0 : i32
        %dma_wait3A_120 = arith.constant 0 : i32
        %dma_wait3A_121 = tpu.memref_slice %arg13[%dma_wait3A_119, %dma_wait3A_120] : memref<10000x16xf32, #tpu.memory_space<vmem_shared>> -> memref<10000x16xf32, #tpu.memory_space<vmem_shared>>
        tpu.wait_indirect_dma semaphore(%run_scoped3A : memref<!tpu.dma_semaphore, #tpu.memory_space<semaphore_mem>>) src(%arg9 : memref<125x16xf32, #tpu.memory_space<vmem>>) dst(%dma_wait3A_121 : memref<10000x16xf32, #tpu.memory_space<vmem_shared>>)
        tpu.yield
      }) : () -> ()
      %add3A_53 = arith.constant 4 : i32
      %add3A_54 = arith.addi %add3A_47, %add3A_53 : i32
      %lt3A = arith.constant 80 : i32
      %lt3A_55 = arith.cmpi slt, %add3A_54, %lt3A : i32
      %convert_element_type3A_56 = arith.extui %lt3A_55 : i1 to i32
      %cond3A_57 = arith.constant 0 : i32
      %cond3A_58 = arith.cmpi ne, %convert_element_type3A_56, %cond3A_57 : i32
      scf.if %cond3A_58 {
        %add3A_110 = arith.constant 4 : i32
        %add3A_111 = arith.addi %add3A_47, %add3A_110 : i32
        %dma_start3A_112 = arith.constant 0 : i32
        %dma_start3A_113 = tpu.memref_slice %arg7[%add3A_111, %dma_start3A_112] : memref<80x125xi32, #tpu.memory_space<vmem>> -> memref<1x125xi32, #tpu.memory_space<vmem>>
        %dma_start3A_114 = tpu.memref_squeeze %dma_start3A_113 : memref<1x125xi32, #tpu.memory_space<vmem>> -> memref<125xi32, #tpu.memory_space<vmem>>
        %dma_start3A_115 = arith.constant 0 : i32
        %dma_start3A_116 = arith.constant 0 : i32
        %dma_start3A_117 = tpu.memref_slice %arg2[%dma_start3A_115, %dma_start3A_116] : memref<10000x16xf32, #tpu.memory_space<hbm>> -> memref<10000x16xf32, #tpu.memory_space<hbm>>
        tpu.enqueue_indirect_dma source(%dma_start3A_117 : memref<10000x16xf32, #tpu.memory_space<hbm>>) target(%arg9 : memref<125x16xf32, #tpu.memory_space<vmem>>) offsets(%dma_start3A_114 : memref<125xi32, #tpu.memory_space<vmem>>) semaphore(%arg14 : memref<!tpu.dma_semaphore, #tpu.memory_space<semaphore_mem>>)
      } else {
      }
      %mul3A_59 = arith.constant 4 : i32
      %mul3A_60 = arith.muli %scan3A_43, %mul3A_59 : i32
      %add3A_61 = arith.constant 1 : i32
      %add3A_62 = arith.addi %mul3A_60, %add3A_61 : i32
      %dma_wait3A_63 = arith.constant 0 : i32
      %dma_wait3A_64 = arith.constant 0 : i32
      %dma_wait3A_65 = tpu.memref_slice %arg2[%dma_wait3A_63, %dma_wait3A_64] : memref<10000x16xf32, #tpu.memory_space<hbm>> -> memref<125x16xf32, #tpu.memory_space<hbm>>
      %dma_wait3A_66 = arith.constant 0 : i32
      %dma_wait3A_67 = arith.constant 0 : i32
      %dma_wait3A_68 = tpu.memref_slice %arg2[%dma_wait3A_66, %dma_wait3A_67] : memref<10000x16xf32, #tpu.memory_space<hbm>> -> memref<125x16xf32, #tpu.memory_space<hbm>>
      tpu.wait_dma2 semaphore(%arg15 : memref<!tpu.dma_semaphore, #tpu.memory_space<semaphore_mem>>) src(%dma_wait3A_68 : memref<125x16xf32, #tpu.memory_space<hbm>>) dst(%arg10 : memref<125x16xf32, #tpu.memory_space<vmem>>)
      "tpu.region"() ({
        %run_scoped3A = tpu.sem_alloc : memref<!tpu.dma_semaphore, #tpu.memory_space<semaphore_mem>>
        %dma_start3A_110 = arith.constant 0 : i32
        %dma_start3A_111 = tpu.memref_slice %arg8[%add3A_62, %dma_start3A_110] : memref<80x125xi32, #tpu.memory_space<vmem>> -> memref<1x125xi32, #tpu.memory_space<vmem>>
        %dma_start3A_112 = tpu.memref_squeeze %dma_start3A_111 : memref<1x125xi32, #tpu.memory_space<vmem>> -> memref<125xi32, #tpu.memory_space<vmem>>
        %dma_start3A_113 = arith.constant 0 : i32
        %dma_start3A_114 = arith.constant 0 : i32
        %dma_start3A_115 = tpu.memref_slice %arg13[%dma_start3A_113, %dma_start3A_114] : memref<10000x16xf32, #tpu.memory_space<vmem_shared>> -> memref<10000x16xf32, #tpu.memory_space<vmem_shared>>
        tpu.enqueue_indirect_dma source(%arg10 : memref<125x16xf32, #tpu.memory_space<vmem>>) target(%dma_start3A_115 : memref<10000x16xf32, #tpu.memory_space<vmem_shared>>) offsets(%dma_start3A_112 : memref<125xi32, #tpu.memory_space<vmem>>) semaphore(%run_scoped3A : memref<!tpu.dma_semaphore, #tpu.memory_space<semaphore_mem>>) {add = true}
        %dma_wait3A_116 = arith.constant 0 : i32
        %dma_wait3A_117 = tpu.memref_slice %arg8[%add3A_62, %dma_wait3A_116] : memref<80x125xi32, #tpu.memory_space<vmem>> -> memref<1x125xi32, #tpu.memory_space<vmem>>
        %dma_wait3A_118 = tpu.memref_squeeze %dma_wait3A_117 : memref<1x125xi32, #tpu.memory_space<vmem>> -> memref<125xi32, #tpu.memory_space<vmem>>
        %dma_wait3A_119 = arith.constant 0 : i32
        %dma_wait3A_120 = arith.constant 0 : i32
        %dma_wait3A_121 = tpu.memref_slice %arg13[%dma_wait3A_119, %dma_wait3A_120] : memref<10000x16xf32, #tpu.memory_space<vmem_shared>> -> memref<10000x16xf32, #tpu.memory_space<vmem_shared>>
        tpu.wait_indirect_dma semaphore(%run_scoped3A : memref<!tpu.dma_semaphore, #tpu.memory_space<semaphore_mem>>) src(%arg10 : memref<125x16xf32, #tpu.memory_space<vmem>>) dst(%dma_wait3A_121 : memref<10000x16xf32, #tpu.memory_space<vmem_shared>>)
        tpu.yield
      }) : () -> ()
      %add3A_69 = arith.constant 4 : i32
      %add3A_70 = arith.addi %add3A_62, %add3A_69 : i32
      %lt3A_71 = arith.constant 80 : i32
      %lt3A_72 = arith.cmpi slt, %add3A_70, %lt3A_71 : i32
      %convert_element_type3A_73 = arith.extui %lt3A_72 : i1 to i32
      %cond3A_74 = arith.constant 0 : i32
      %cond3A_75 = arith.cmpi ne, %convert_element_type3A_73, %cond3A_74 : i32
      scf.if %cond3A_75 {
        %add3A_110 = arith.constant 4 : i32
        %add3A_111 = arith.addi %add3A_62, %add3A_110 : i32
        %dma_start3A_112 = arith.constant 0 : i32
        %dma_start3A_113 = tpu.memref_slice %arg7[%add3A_111, %dma_start3A_112] : memref<80x125xi32, #tpu.memory_space<vmem>> -> memref<1x125xi32, #tpu.memory_space<vmem>>
        %dma_start3A_114 = tpu.memref_squeeze %dma_start3A_113 : memref<1x125xi32, #tpu.memory_space<vmem>> -> memref<125xi32, #tpu.memory_space<vmem>>
        %dma_start3A_115 = arith.constant 0 : i32
        %dma_start3A_116 = arith.constant 0 : i32
        %dma_start3A_117 = tpu.memref_slice %arg2[%dma_start3A_115, %dma_start3A_116] : memref<10000x16xf32, #tpu.memory_space<hbm>> -> memref<10000x16xf32, #tpu.memory_space<hbm>>
        tpu.enqueue_indirect_dma source(%dma_start3A_117 : memref<10000x16xf32, #tpu.memory_space<hbm>>) target(%arg10 : memref<125x16xf32, #tpu.memory_space<vmem>>) offsets(%dma_start3A_114 : memref<125xi32, #tpu.memory_space<vmem>>) semaphore(%arg15 : memref<!tpu.dma_semaphore, #tpu.memory_space<semaphore_mem>>)
      } else {
      }
      %mul3A_76 = arith.constant 4 : i32
      %mul3A_77 = arith.muli %scan3A_43, %mul3A_76 : i32
      %add3A_78 = arith.constant 2 : i32
      %add3A_79 = arith.addi %mul3A_77, %add3A_78 : i32
      %dma_wait3A_80 = arith.constant 0 : i32
      %dma_wait3A_81 = arith.constant 0 : i32
      %dma_wait3A_82 = tpu.memref_slice %arg2[%dma_wait3A_80, %dma_wait3A_81] : memref<10000x16xf32, #tpu.memory_space<hbm>> -> memref<125x16xf32, #tpu.memory_space<hbm>>
      %dma_wait3A_83 = arith.constant 0 : i32
      %dma_wait3A_84 = arith.constant 0 : i32
      %dma_wait3A_85 = tpu.memref_slice %arg2[%dma_wait3A_83, %dma_wait3A_84] : memref<10000x16xf32, #tpu.memory_space<hbm>> -> memref<125x16xf32, #tpu.memory_space<hbm>>
      tpu.wait_dma2 semaphore(%arg16 : memref<!tpu.dma_semaphore, #tpu.memory_space<semaphore_mem>>) src(%dma_wait3A_85 : memref<125x16xf32, #tpu.memory_space<hbm>>) dst(%arg11 : memref<125x16xf32, #tpu.memory_space<vmem>>)
      "tpu.region"() ({
        %run_scoped3A = tpu.sem_alloc : memref<!tpu.dma_semaphore, #tpu.memory_space<semaphore_mem>>
        %dma_start3A_110 = arith.constant 0 : i32
        %dma_start3A_111 = tpu.memref_slice %arg8[%add3A_79, %dma_start3A_110] : memref<80x125xi32, #tpu.memory_space<vmem>> -> memref<1x125xi32, #tpu.memory_space<vmem>>
        %dma_start3A_112 = tpu.memref_squeeze %dma_start3A_111 : memref<1x125xi32, #tpu.memory_space<vmem>> -> memref<125xi32, #tpu.memory_space<vmem>>
        %dma_start3A_113 = arith.constant 0 : i32
        %dma_start3A_114 = arith.constant 0 : i32
        %dma_start3A_115 = tpu.memref_slice %arg13[%dma_start3A_113, %dma_start3A_114] : memref<10000x16xf32, #tpu.memory_space<vmem_shared>> -> memref<10000x16xf32, #tpu.memory_space<vmem_shared>>
        tpu.enqueue_indirect_dma source(%arg11 : memref<125x16xf32, #tpu.memory_space<vmem>>) target(%dma_start3A_115 : memref<10000x16xf32, #tpu.memory_space<vmem_shared>>) offsets(%dma_start3A_112 : memref<125xi32, #tpu.memory_space<vmem>>) semaphore(%run_scoped3A : memref<!tpu.dma_semaphore, #tpu.memory_space<semaphore_mem>>) {add = true}
        %dma_wait3A_116 = arith.constant 0 : i32
        %dma_wait3A_117 = tpu.memref_slice %arg8[%add3A_79, %dma_wait3A_116] : memref<80x125xi32, #tpu.memory_space<vmem>> -> memref<1x125xi32, #tpu.memory_space<vmem>>
        %dma_wait3A_118 = tpu.memref_squeeze %dma_wait3A_117 : memref<1x125xi32, #tpu.memory_space<vmem>> -> memref<125xi32, #tpu.memory_space<vmem>>
        %dma_wait3A_119 = arith.constant 0 : i32
        %dma_wait3A_120 = arith.constant 0 : i32
        %dma_wait3A_121 = tpu.memref_slice %arg13[%dma_wait3A_119, %dma_wait3A_120] : memref<10000x16xf32, #tpu.memory_space<vmem_shared>> -> memref<10000x16xf32, #tpu.memory_space<vmem_shared>>
        tpu.wait_indirect_dma semaphore(%run_scoped3A : memref<!tpu.dma_semaphore, #tpu.memory_space<semaphore_mem>>) src(%arg11 : memref<125x16xf32, #tpu.memory_space<vmem>>) dst(%dma_wait3A_121 : memref<10000x16xf32, #tpu.memory_space<vmem_shared>>)
        tpu.yield
      }) : () -> ()
      %add3A_86 = arith.constant 4 : i32
      %add3A_87 = arith.addi %add3A_79, %add3A_86 : i32
      %lt3A_88 = arith.constant 80 : i32
      %lt3A_89 = arith.cmpi slt, %add3A_87, %lt3A_88 : i32
      %convert_element_type3A_90 = arith.extui %lt3A_89 : i1 to i32
      %cond3A_91 = arith.constant 0 : i32
      %cond3A_92 = arith.cmpi ne, %convert_element_type3A_90, %cond3A_91 : i32
      scf.if %cond3A_92 {
        %add3A_110 = arith.constant 4 : i32
        %add3A_111 = arith.addi %add3A_79, %add3A_110 : i32
        %dma_start3A_112 = arith.constant 0 : i32
        %dma_start3A_113 = tpu.memref_slice %arg7[%add3A_111, %dma_start3A_112] : memref<80x125xi32, #tpu.memory_space<vmem>> -> memref<1x125xi32, #tpu.memory_space<vmem>>
        %dma_start3A_114 = tpu.memref_squeeze %dma_start3A_113 : memref<1x125xi32, #tpu.memory_space<vmem>> -> memref<125xi32, #tpu.memory_space<vmem>>
        %dma_start3A_115 = arith.constant 0 : i32
        %dma_start3A_116 = arith.constant 0 : i32
        %dma_start3A_117 = tpu.memref_slice %arg2[%dma_start3A_115, %dma_start3A_116] : memref<10000x16xf32, #tpu.memory_space<hbm>> -> memref<10000x16xf32, #tpu.memory_space<hbm>>
        tpu.enqueue_indirect_dma source(%dma_start3A_117 : memref<10000x16xf32, #tpu.memory_space<hbm>>) target(%arg11 : memref<125x16xf32, #tpu.memory_space<vmem>>) offsets(%dma_start3A_114 : memref<125xi32, #tpu.memory_space<vmem>>) semaphore(%arg16 : memref<!tpu.dma_semaphore, #tpu.memory_space<semaphore_mem>>)
      } else {
      }
      %mul3A_93 = arith.constant 4 : i32
      %mul3A_94 = arith.muli %scan3A_43, %mul3A_93 : i32
      %add3A_95 = arith.constant 3 : i32
      %add3A_96 = arith.addi %mul3A_94, %add3A_95 : i32
      %dma_wait3A_97 = arith.constant 0 : i32
      %dma_wait3A_98 = arith.constant 0 : i32
      %dma_wait3A_99 = tpu.memref_slice %arg2[%dma_wait3A_97, %dma_wait3A_98] : memref<10000x16xf32, #tpu.memory_space<hbm>> -> memref<125x16xf32, #tpu.memory_space<hbm>>
      %dma_wait3A_100 = arith.constant 0 : i32
      %dma_wait3A_101 = arith.constant 0 : i32
      %dma_wait3A_102 = tpu.memref_slice %arg2[%dma_wait3A_100, %dma_wait3A_101] : memref<10000x16xf32, #tpu.memory_space<hbm>> -> memref<125x16xf32, #tpu.memory_space<hbm>>
      tpu.wait_dma2 semaphore(%arg17 : memref<!tpu.dma_semaphore, #tpu.memory_space<semaphore_mem>>) src(%dma_wait3A_102 : memref<125x16xf32, #tpu.memory_space<hbm>>) dst(%arg12 : memref<125x16xf32, #tpu.memory_space<vmem>>)
      "tpu.region"() ({
        %run_scoped3A = tpu.sem_alloc : memref<!tpu.dma_semaphore, #tpu.memory_space<semaphore_mem>>
        %dma_start3A_110 = arith.constant 0 : i32
        %dma_start3A_111 = tpu.memref_slice %arg8[%add3A_96, %dma_start3A_110] : memref<80x125xi32, #tpu.memory_space<vmem>> -> memref<1x125xi32, #tpu.memory_space<vmem>>
        %dma_start3A_112 = tpu.memref_squeeze %dma_start3A_111 : memref<1x125xi32, #tpu.memory_space<vmem>> -> memref<125xi32, #tpu.memory_space<vmem>>
        %dma_start3A_113 = arith.constant 0 : i32
        %dma_start3A_114 = arith.constant 0 : i32
        %dma_start3A_115 = tpu.memref_slice %arg13[%dma_start3A_113, %dma_start3A_114] : memref<10000x16xf32, #tpu.memory_space<vmem_shared>> -> memref<10000x16xf32, #tpu.memory_space<vmem_shared>>
        tpu.enqueue_indirect_dma source(%arg12 : memref<125x16xf32, #tpu.memory_space<vmem>>) target(%dma_start3A_115 : memref<10000x16xf32, #tpu.memory_space<vmem_shared>>) offsets(%dma_start3A_112 : memref<125xi32, #tpu.memory_space<vmem>>) semaphore(%run_scoped3A : memref<!tpu.dma_semaphore, #tpu.memory_space<semaphore_mem>>) {add = true}
        %dma_wait3A_116 = arith.constant 0 : i32
        %dma_wait3A_117 = tpu.memref_slice %arg8[%add3A_96, %dma_wait3A_116] : memref<80x125xi32, #tpu.memory_space<vmem>> -> memref<1x125xi32, #tpu.memory_space<vmem>>
        %dma_wait3A_118 = tpu.memref_squeeze %dma_wait3A_117 : memref<1x125xi32, #tpu.memory_space<vmem>> -> memref<125xi32, #tpu.memory_space<vmem>>
        %dma_wait3A_119 = arith.constant 0 : i32
        %dma_wait3A_120 = arith.constant 0 : i32
        %dma_wait3A_121 = tpu.memref_slice %arg13[%dma_wait3A_119, %dma_wait3A_120] : memref<10000x16xf32, #tpu.memory_space<vmem_shared>> -> memref<10000x16xf32, #tpu.memory_space<vmem_shared>>
        tpu.wait_indirect_dma semaphore(%run_scoped3A : memref<!tpu.dma_semaphore, #tpu.memory_space<semaphore_mem>>) src(%arg12 : memref<125x16xf32, #tpu.memory_space<vmem>>) dst(%dma_wait3A_121 : memref<10000x16xf32, #tpu.memory_space<vmem_shared>>)
        tpu.yield
      }) : () -> ()
      %add3A_103 = arith.constant 4 : i32
      %add3A_104 = arith.addi %add3A_96, %add3A_103 : i32
      %lt3A_105 = arith.constant 80 : i32
      %lt3A_106 = arith.cmpi slt, %add3A_104, %lt3A_105 : i32
      %convert_element_type3A_107 = arith.extui %lt3A_106 : i1 to i32
      %cond3A_108 = arith.constant 0 : i32
      %cond3A_109 = arith.cmpi ne, %convert_element_type3A_107, %cond3A_108 : i32
      scf.if %cond3A_109 {
        %add3A_110 = arith.constant 4 : i32
        %add3A_111 = arith.addi %add3A_96, %add3A_110 : i32
        %dma_start3A_112 = arith.constant 0 : i32
        %dma_start3A_113 = tpu.memref_slice %arg7[%add3A_111, %dma_start3A_112] : memref<80x125xi32, #tpu.memory_space<vmem>> -> memref<1x125xi32, #tpu.memory_space<vmem>>
        %dma_start3A_114 = tpu.memref_squeeze %dma_start3A_113 : memref<1x125xi32, #tpu.memory_space<vmem>> -> memref<125xi32, #tpu.memory_space<vmem>>
        %dma_start3A_115 = arith.constant 0 : i32
        %dma_start3A_116 = arith.constant 0 : i32
        %dma_start3A_117 = tpu.memref_slice %arg2[%dma_start3A_115, %dma_start3A_116] : memref<10000x16xf32, #tpu.memory_space<hbm>> -> memref<10000x16xf32, #tpu.memory_space<hbm>>
        tpu.enqueue_indirect_dma source(%dma_start3A_117 : memref<10000x16xf32, #tpu.memory_space<hbm>>) target(%arg12 : memref<125x16xf32, #tpu.memory_space<vmem>>) offsets(%dma_start3A_114 : memref<125xi32, #tpu.memory_space<vmem>>) semaphore(%arg17 : memref<!tpu.dma_semaphore, #tpu.memory_space<semaphore_mem>>)
      } else {
      }
    }
    %scan3A_36 = arith.constant 20 : i32
    %barrier3A_37 = arith.constant 0 : index
    tpu.barrier barrier_id(%barrier3A_37)
    "tpu.region"() ({
      %run_scoped3A = tpu.sem_alloc : memref<!tpu.dma_semaphore, #tpu.memory_space<semaphore_mem>>
      %dma_start3A_43 = arith.constant 0 : i32
      %dma_start3A_44 = tpu.memref_slice %arg6[%arg0, %mul3A_2, %dma_start3A_43] : memref<2x10000x16xf32, #tpu.memory_space<hbm>> -> memref<1x624x16xf32, #tpu.memory_space<hbm>>
      %dma_start3A_45 = tpu.memref_squeeze %dma_start3A_44 : memref<1x624x16xf32, #tpu.memory_space<hbm>> -> memref<624x16xf32, #tpu.memory_space<hbm>>
      %dma_start3A_46 = arith.constant 0 : i32
      %dma_start3A_47 = tpu.memref_slice %arg13[%mul3A_2, %dma_start3A_46] : memref<10000x16xf32, #tpu.memory_space<vmem_shared>> -> memref<624x16xf32, #tpu.memory_space<vmem_shared>>
      tpu.enqueue_dma source(%dma_start3A_47 : memref<624x16xf32, #tpu.memory_space<vmem_shared>>) target(%dma_start3A_45 : memref<624x16xf32, #tpu.memory_space<hbm>>) target_semaphore(%run_scoped3A : memref<!tpu.dma_semaphore, #tpu.memory_space<semaphore_mem>>)
      %dma_wait3A = arith.constant 0 : i32
      %dma_wait3A_48 = tpu.memref_slice %arg6[%arg0, %mul3A_2, %dma_wait3A] : memref<2x10000x16xf32, #tpu.memory_space<hbm>> -> memref<1x624x16xf32, #tpu.memory_space<hbm>>
      %dma_wait3A_49 = tpu.memref_squeeze %dma_wait3A_48 : memref<1x624x16xf32, #tpu.memory_space<hbm>> -> memref<624x16xf32, #tpu.memory_space<hbm>>
      %dma_wait3A_50 = arith.constant 0 : i32
      %dma_wait3A_51 = tpu.memref_slice %arg13[%mul3A_2, %dma_wait3A_50] : memref<10000x16xf32, #tpu.memory_space<vmem_shared>> -> memref<624x16xf32, #tpu.memory_space<vmem_shared>>
      tpu.wait_dma2 semaphore(%run_scoped3A : memref<!tpu.dma_semaphore, #tpu.memory_space<semaphore_mem>>) src(%dma_wait3A_51 : memref<624x16xf32, #tpu.memory_space<vmem_shared>>) dst(%dma_wait3A_49 : memref<624x16xf32, #tpu.memory_space<hbm>>)
      tpu.yield
    }) : () -> ()
    %eq3A_38 = arith.constant 15 : i32
    %eq3A_39 = arith.cmpi eq, %arg1, %eq3A_38 : i32
    %convert_element_type3A_40 = arith.extui %eq3A_39 : i1 to i32
    %cond3A_41 = arith.constant 0 : i32
    %cond3A_42 = arith.cmpi ne, %convert_element_type3A_40, %cond3A_41 : i32
    scf.if %cond3A_42 {
      "tpu.region"() ({
        %run_scoped3A = tpu.sem_alloc : memref<!tpu.dma_semaphore, #tpu.memory_space<semaphore_mem>>
        %dma_start3A_43 = arith.constant 9984 : i32
        %dma_start3A_44 = arith.constant 0 : i32
        %dma_start3A_45 = tpu.memref_slice %arg6[%arg0, %dma_start3A_43, %dma_start3A_44] : memref<2x10000x16xf32, #tpu.memory_space<hbm>> -> memref<1x16x16xf32, #tpu.memory_space<hbm>>
        %dma_start3A_46 = tpu.memref_squeeze %dma_start3A_45 : memref<1x16x16xf32, #tpu.memory_space<hbm>> -> memref<16x16xf32, #tpu.memory_space<hbm>>
        %dma_start3A_47 = arith.constant 9984 : i32
        %dma_start3A_48 = arith.constant 0 : i32
        %dma_start3A_49 = tpu.memref_slice %arg13[%dma_start3A_47, %dma_start3A_48] : memref<10000x16xf32, #tpu.memory_space<vmem_shared>> -> memref<16x16xf32, #tpu.memory_space<vmem_shared>>
        tpu.enqueue_dma source(%dma_start3A_49 : memref<16x16xf32, #tpu.memory_space<vmem_shared>>) target(%dma_start3A_46 : memref<16x16xf32, #tpu.memory_space<hbm>>) target_semaphore(%run_scoped3A : memref<!tpu.dma_semaphore, #tpu.memory_space<semaphore_mem>>)
        %dma_wait3A = arith.constant 9984 : i32
        %dma_wait3A_50 = arith.constant 0 : i32
        %dma_wait3A_51 = tpu.memref_slice %arg6[%arg0, %dma_wait3A, %dma_wait3A_50] : memref<2x10000x16xf32, #tpu.memory_space<hbm>> -> memref<1x16x16xf32, #tpu.memory_space<hbm>>
        %dma_wait3A_52 = tpu.memref_squeeze %dma_wait3A_51 : memref<1x16x16xf32, #tpu.memory_space<hbm>> -> memref<16x16xf32, #tpu.memory_space<hbm>>
        %dma_wait3A_53 = arith.constant 9984 : i32
        %dma_wait3A_54 = arith.constant 0 : i32
        %dma_wait3A_55 = tpu.memref_slice %arg13[%dma_wait3A_53, %dma_wait3A_54] : memref<10000x16xf32, #tpu.memory_space<vmem_shared>> -> memref<16x16xf32, #tpu.memory_space<vmem_shared>>
        tpu.wait_dma2 semaphore(%run_scoped3A : memref<!tpu.dma_semaphore, #tpu.memory_space<semaphore_mem>>) src(%dma_wait3A_55 : memref<16x16xf32, #tpu.memory_space<vmem_shared>>) dst(%dma_wait3A_52 : memref<16x16xf32, #tpu.memory_space<hbm>>)
        tpu.yield
      }) : () -> ()
    } else {
    }
    return
  }
}

#map = affine_map<(d0, d1) -> (0, 0)>
#map1 = affine_map<(d0, d1) -> (0, 0, 0)>
module attributes {stable_mosaic.version = 14 : i64} {
  func.func @_scat_body(%arg0: i32, %arg1: i32, %arg2: memref<10000x32xf32, #tpu.memory_space<hbm>>, %arg3: memref<32x80x125xi32, #tpu.memory_space<hbm>>, %arg4: memref<32x80x125xi32, #tpu.memory_space<hbm>>, %arg5: memref<10000x32xf32, #tpu.memory_space<hbm>>, %arg6: memref<2x10000x32xf32, #tpu.memory_space<hbm>>, %arg7: memref<80x125xi32, #tpu.memory_space<vmem>>, %arg8: memref<80x125xi32, #tpu.memory_space<vmem>>, %arg9: memref<125x32xf32, #tpu.memory_space<vmem>>, %arg10: memref<125x32xf32, #tpu.memory_space<vmem>>, %arg11: memref<125x32xf32, #tpu.memory_space<vmem>>, %arg12: memref<125x32xf32, #tpu.memory_space<vmem>>, %arg13: memref<10000x32xf32, #tpu.memory_space<vmem_shared>>, %arg14: memref<!tpu.dma_semaphore, #tpu.memory_space<semaphore_mem>>, %arg15: memref<!tpu.dma_semaphore, #tpu.memory_space<semaphore_mem>>, %arg16: memref<!tpu.dma_semaphore, #tpu.memory_space<semaphore_mem>>, %arg17: memref<!tpu.dma_semaphore, #tpu.memory_space<semaphore_mem>>) attributes {dimension_semantics = [#tpu.dimension_semantics<core_parallel>, #tpu.dimension_semantics<subcore_parallel>], iteration_bounds = array<i64: 2, 16>, scalar_prefetch = 0 : i64, scratch_operands = 11 : i64, tpu.core_type = #tpu.core_type<sc_vector_subcore>, window_params = [{transform_indices = #map}, {transform_indices = #map1}, {transform_indices = #map1}, {transform_indices = #map}, {transform_indices = #map1}]} {
    %mul3A = arith.constant 16 : i32
    %mul3A_0 = arith.muli %arg0, %mul3A : i32
    %add3A = arith.addi %mul3A_0, %arg1 : i32
    %mul3A_1 = arith.constant 624 : i32
    %mul3A_2 = arith.muli %arg1, %mul3A_1 : i32
    "tpu.region"() ({
      %run_scoped3A = tpu.sem_alloc : memref<!tpu.dma_semaphore, #tpu.memory_space<semaphore_mem>>
      %dma_start3A_43 = arith.constant 0 : i32
      %dma_start3A_44 = tpu.memref_slice %arg13[%mul3A_2, %dma_start3A_43] : memref<10000x32xf32, #tpu.memory_space<vmem_shared>> -> memref<624x32xf32, #tpu.memory_space<vmem_shared>>
      %dma_start3A_45 = arith.constant 0 : i32
      %dma_start3A_46 = tpu.memref_slice %arg5[%mul3A_2, %dma_start3A_45] : memref<10000x32xf32, #tpu.memory_space<hbm>> -> memref<624x32xf32, #tpu.memory_space<hbm>>
      tpu.enqueue_dma source(%dma_start3A_46 : memref<624x32xf32, #tpu.memory_space<hbm>>) target(%dma_start3A_44 : memref<624x32xf32, #tpu.memory_space<vmem_shared>>) target_semaphore(%run_scoped3A : memref<!tpu.dma_semaphore, #tpu.memory_space<semaphore_mem>>)
      %dma_wait3A = arith.constant 0 : i32
      %dma_wait3A_47 = tpu.memref_slice %arg13[%mul3A_2, %dma_wait3A] : memref<10000x32xf32, #tpu.memory_space<vmem_shared>> -> memref<624x32xf32, #tpu.memory_space<vmem_shared>>
      %dma_wait3A_48 = arith.constant 0 : i32
      %dma_wait3A_49 = tpu.memref_slice %arg5[%mul3A_2, %dma_wait3A_48] : memref<10000x32xf32, #tpu.memory_space<hbm>> -> memref<624x32xf32, #tpu.memory_space<hbm>>
      tpu.wait_dma2 semaphore(%run_scoped3A : memref<!tpu.dma_semaphore, #tpu.memory_space<semaphore_mem>>) src(%dma_wait3A_49 : memref<624x32xf32, #tpu.memory_space<hbm>>) dst(%dma_wait3A_47 : memref<624x32xf32, #tpu.memory_space<vmem_shared>>)
      tpu.yield
    }) : () -> ()
    %eq3A = arith.constant 15 : i32
    %eq3A_3 = arith.cmpi eq, %arg1, %eq3A : i32
    %convert_element_type3A = arith.extui %eq3A_3 : i1 to i32
    %cond3A = arith.constant 0 : i32
    %cond3A_4 = arith.cmpi ne, %convert_element_type3A, %cond3A : i32
    scf.if %cond3A_4 {
      "tpu.region"() ({
        %run_scoped3A = tpu.sem_alloc : memref<!tpu.dma_semaphore, #tpu.memory_space<semaphore_mem>>
        %dma_start3A_43 = arith.constant 9984 : i32
        %dma_start3A_44 = arith.constant 0 : i32
        %dma_start3A_45 = tpu.memref_slice %arg13[%dma_start3A_43, %dma_start3A_44] : memref<10000x32xf32, #tpu.memory_space<vmem_shared>> -> memref<16x32xf32, #tpu.memory_space<vmem_shared>>
        %dma_start3A_46 = arith.constant 9984 : i32
        %dma_start3A_47 = arith.constant 0 : i32
        %dma_start3A_48 = tpu.memref_slice %arg5[%dma_start3A_46, %dma_start3A_47] : memref<10000x32xf32, #tpu.memory_space<hbm>> -> memref<16x32xf32, #tpu.memory_space<hbm>>
        tpu.enqueue_dma source(%dma_start3A_48 : memref<16x32xf32, #tpu.memory_space<hbm>>) target(%dma_start3A_45 : memref<16x32xf32, #tpu.memory_space<vmem_shared>>) target_semaphore(%run_scoped3A : memref<!tpu.dma_semaphore, #tpu.memory_space<semaphore_mem>>)
        %dma_wait3A = arith.constant 9984 : i32
        %dma_wait3A_49 = arith.constant 0 : i32
        %dma_wait3A_50 = tpu.memref_slice %arg13[%dma_wait3A, %dma_wait3A_49] : memref<10000x32xf32, #tpu.memory_space<vmem_shared>> -> memref<16x32xf32, #tpu.memory_space<vmem_shared>>
        %dma_wait3A_51 = arith.constant 9984 : i32
        %dma_wait3A_52 = arith.constant 0 : i32
        %dma_wait3A_53 = tpu.memref_slice %arg5[%dma_wait3A_51, %dma_wait3A_52] : memref<10000x32xf32, #tpu.memory_space<hbm>> -> memref<16x32xf32, #tpu.memory_space<hbm>>
        tpu.wait_dma2 semaphore(%run_scoped3A : memref<!tpu.dma_semaphore, #tpu.memory_space<semaphore_mem>>) src(%dma_wait3A_53 : memref<16x32xf32, #tpu.memory_space<hbm>>) dst(%dma_wait3A_50 : memref<16x32xf32, #tpu.memory_space<vmem_shared>>)
        tpu.yield
      }) : () -> ()
    } else {
    }
    "tpu.region"() ({
      %run_scoped3A = tpu.sem_alloc : memref<!tpu.dma_semaphore, #tpu.memory_space<semaphore_mem>>
      %dma_start3A_43 = arith.constant 0 : i32
      %dma_start3A_44 = arith.constant 0 : i32
      %dma_start3A_45 = tpu.memref_slice %arg3[%add3A, %dma_start3A_43, %dma_start3A_44] : memref<32x80x125xi32, #tpu.memory_space<hbm>> -> memref<1x80x125xi32, #tpu.memory_space<hbm>>
      %dma_start3A_46 = tpu.memref_squeeze %dma_start3A_45 : memref<1x80x125xi32, #tpu.memory_space<hbm>> -> memref<80x125xi32, #tpu.memory_space<hbm>>
      %dma_start3A_47 = arith.constant 0 : i32
      %dma_start3A_48 = arith.constant 0 : i32
      %dma_start3A_49 = tpu.memref_slice %arg3[%add3A, %dma_start3A_47, %dma_start3A_48] : memref<32x80x125xi32, #tpu.memory_space<hbm>> -> memref<1x80x125xi32, #tpu.memory_space<hbm>>
      %dma_start3A_50 = tpu.memref_squeeze %dma_start3A_49 : memref<1x80x125xi32, #tpu.memory_space<hbm>> -> memref<80x125xi32, #tpu.memory_space<hbm>>
      tpu.enqueue_dma source(%dma_start3A_50 : memref<80x125xi32, #tpu.memory_space<hbm>>) target(%arg7 : memref<80x125xi32, #tpu.memory_space<vmem>>) target_semaphore(%run_scoped3A : memref<!tpu.dma_semaphore, #tpu.memory_space<semaphore_mem>>)
      %dma_wait3A = arith.constant 0 : i32
      %dma_wait3A_51 = arith.constant 0 : i32
      %dma_wait3A_52 = tpu.memref_slice %arg3[%add3A, %dma_wait3A, %dma_wait3A_51] : memref<32x80x125xi32, #tpu.memory_space<hbm>> -> memref<1x80x125xi32, #tpu.memory_space<hbm>>
      %dma_wait3A_53 = tpu.memref_squeeze %dma_wait3A_52 : memref<1x80x125xi32, #tpu.memory_space<hbm>> -> memref<80x125xi32, #tpu.memory_space<hbm>>
      %dma_wait3A_54 = arith.constant 0 : i32
      %dma_wait3A_55 = arith.constant 0 : i32
      %dma_wait3A_56 = tpu.memref_slice %arg3[%add3A, %dma_wait3A_54, %dma_wait3A_55] : memref<32x80x125xi32, #tpu.memory_space<hbm>> -> memref<1x80x125xi32, #tpu.memory_space<hbm>>
      %dma_wait3A_57 = tpu.memref_squeeze %dma_wait3A_56 : memref<1x80x125xi32, #tpu.memory_space<hbm>> -> memref<80x125xi32, #tpu.memory_space<hbm>>
      tpu.wait_dma2 semaphore(%run_scoped3A : memref<!tpu.dma_semaphore, #tpu.memory_space<semaphore_mem>>) src(%dma_wait3A_57 : memref<80x125xi32, #tpu.memory_space<hbm>>) dst(%arg7 : memref<80x125xi32, #tpu.memory_space<vmem>>)
      tpu.yield
    }) : () -> ()
    "tpu.region"() ({
      %run_scoped3A = tpu.sem_alloc : memref<!tpu.dma_semaphore, #tpu.memory_space<semaphore_mem>>
      %dma_start3A_43 = arith.constant 0 : i32
      %dma_start3A_44 = arith.constant 0 : i32
      %dma_start3A_45 = tpu.memref_slice %arg4[%add3A, %dma_start3A_43, %dma_start3A_44] : memref<32x80x125xi32, #tpu.memory_space<hbm>> -> memref<1x80x125xi32, #tpu.memory_space<hbm>>
      %dma_start3A_46 = tpu.memref_squeeze %dma_start3A_45 : memref<1x80x125xi32, #tpu.memory_space<hbm>> -> memref<80x125xi32, #tpu.memory_space<hbm>>
      %dma_start3A_47 = arith.constant 0 : i32
      %dma_start3A_48 = arith.constant 0 : i32
      %dma_start3A_49 = tpu.memref_slice %arg4[%add3A, %dma_start3A_47, %dma_start3A_48] : memref<32x80x125xi32, #tpu.memory_space<hbm>> -> memref<1x80x125xi32, #tpu.memory_space<hbm>>
      %dma_start3A_50 = tpu.memref_squeeze %dma_start3A_49 : memref<1x80x125xi32, #tpu.memory_space<hbm>> -> memref<80x125xi32, #tpu.memory_space<hbm>>
      tpu.enqueue_dma source(%dma_start3A_50 : memref<80x125xi32, #tpu.memory_space<hbm>>) target(%arg8 : memref<80x125xi32, #tpu.memory_space<vmem>>) target_semaphore(%run_scoped3A : memref<!tpu.dma_semaphore, #tpu.memory_space<semaphore_mem>>)
      %dma_wait3A = arith.constant 0 : i32
      %dma_wait3A_51 = arith.constant 0 : i32
      %dma_wait3A_52 = tpu.memref_slice %arg4[%add3A, %dma_wait3A, %dma_wait3A_51] : memref<32x80x125xi32, #tpu.memory_space<hbm>> -> memref<1x80x125xi32, #tpu.memory_space<hbm>>
      %dma_wait3A_53 = tpu.memref_squeeze %dma_wait3A_52 : memref<1x80x125xi32, #tpu.memory_space<hbm>> -> memref<80x125xi32, #tpu.memory_space<hbm>>
      %dma_wait3A_54 = arith.constant 0 : i32
      %dma_wait3A_55 = arith.constant 0 : i32
      %dma_wait3A_56 = tpu.memref_slice %arg4[%add3A, %dma_wait3A_54, %dma_wait3A_55] : memref<32x80x125xi32, #tpu.memory_space<hbm>> -> memref<1x80x125xi32, #tpu.memory_space<hbm>>
      %dma_wait3A_57 = tpu.memref_squeeze %dma_wait3A_56 : memref<1x80x125xi32, #tpu.memory_space<hbm>> -> memref<80x125xi32, #tpu.memory_space<hbm>>
      tpu.wait_dma2 semaphore(%run_scoped3A : memref<!tpu.dma_semaphore, #tpu.memory_space<semaphore_mem>>) src(%dma_wait3A_57 : memref<80x125xi32, #tpu.memory_space<hbm>>) dst(%arg8 : memref<80x125xi32, #tpu.memory_space<vmem>>)
      tpu.yield
    }) : () -> ()
    %barrier3A = arith.constant 0 : index
    tpu.barrier barrier_id(%barrier3A)
    %dma_start3A = arith.constant 0 : i32
    %dma_start3A_5 = arith.constant 0 : i32
    %dma_start3A_6 = tpu.memref_slice %arg7[%dma_start3A, %dma_start3A_5] : memref<80x125xi32, #tpu.memory_space<vmem>> -> memref<1x125xi32, #tpu.memory_space<vmem>>
    %dma_start3A_7 = tpu.memref_squeeze %dma_start3A_6 : memref<1x125xi32, #tpu.memory_space<vmem>> -> memref<125xi32, #tpu.memory_space<vmem>>
    %dma_start3A_8 = arith.constant 0 : i32
    %dma_start3A_9 = arith.constant 0 : i32
    %dma_start3A_10 = tpu.memref_slice %arg2[%dma_start3A_8, %dma_start3A_9] : memref<10000x32xf32, #tpu.memory_space<hbm>> -> memref<10000x32xf32, #tpu.memory_space<hbm>>
    tpu.enqueue_indirect_dma source(%dma_start3A_10 : memref<10000x32xf32, #tpu.memory_space<hbm>>) target(%arg9 : memref<125x32xf32, #tpu.memory_space<vmem>>) offsets(%dma_start3A_7 : memref<125xi32, #tpu.memory_space<vmem>>) semaphore(%arg14 : memref<!tpu.dma_semaphore, #tpu.memory_space<semaphore_mem>>)
    %dma_start3A_11 = arith.constant 1 : i32
    %dma_start3A_12 = arith.constant 0 : i32
    %dma_start3A_13 = tpu.memref_slice %arg7[%dma_start3A_11, %dma_start3A_12] : memref<80x125xi32, #tpu.memory_space<vmem>> -> memref<1x125xi32, #tpu.memory_space<vmem>>
    %dma_start3A_14 = tpu.memref_squeeze %dma_start3A_13 : memref<1x125xi32, #tpu.memory_space<vmem>> -> memref<125xi32, #tpu.memory_space<vmem>>
    %dma_start3A_15 = arith.constant 0 : i32
    %dma_start3A_16 = arith.constant 0 : i32
    %dma_start3A_17 = tpu.memref_slice %arg2[%dma_start3A_15, %dma_start3A_16] : memref<10000x32xf32, #tpu.memory_space<hbm>> -> memref<10000x32xf32, #tpu.memory_space<hbm>>
    tpu.enqueue_indirect_dma source(%dma_start3A_17 : memref<10000x32xf32, #tpu.memory_space<hbm>>) target(%arg10 : memref<125x32xf32, #tpu.memory_space<vmem>>) offsets(%dma_start3A_14 : memref<125xi32, #tpu.memory_space<vmem>>) semaphore(%arg15 : memref<!tpu.dma_semaphore, #tpu.memory_space<semaphore_mem>>)
    %dma_start3A_18 = arith.constant 2 : i32
    %dma_start3A_19 = arith.constant 0 : i32
    %dma_start3A_20 = tpu.memref_slice %arg7[%dma_start3A_18, %dma_start3A_19] : memref<80x125xi32, #tpu.memory_space<vmem>> -> memref<1x125xi32, #tpu.memory_space<vmem>>
    %dma_start3A_21 = tpu.memref_squeeze %dma_start3A_20 : memref<1x125xi32, #tpu.memory_space<vmem>> -> memref<125xi32, #tpu.memory_space<vmem>>
    %dma_start3A_22 = arith.constant 0 : i32
    %dma_start3A_23 = arith.constant 0 : i32
    %dma_start3A_24 = tpu.memref_slice %arg2[%dma_start3A_22, %dma_start3A_23] : memref<10000x32xf32, #tpu.memory_space<hbm>> -> memref<10000x32xf32, #tpu.memory_space<hbm>>
    tpu.enqueue_indirect_dma source(%dma_start3A_24 : memref<10000x32xf32, #tpu.memory_space<hbm>>) target(%arg11 : memref<125x32xf32, #tpu.memory_space<vmem>>) offsets(%dma_start3A_21 : memref<125xi32, #tpu.memory_space<vmem>>) semaphore(%arg16 : memref<!tpu.dma_semaphore, #tpu.memory_space<semaphore_mem>>)
    %dma_start3A_25 = arith.constant 3 : i32
    %dma_start3A_26 = arith.constant 0 : i32
    %dma_start3A_27 = tpu.memref_slice %arg7[%dma_start3A_25, %dma_start3A_26] : memref<80x125xi32, #tpu.memory_space<vmem>> -> memref<1x125xi32, #tpu.memory_space<vmem>>
    %dma_start3A_28 = tpu.memref_squeeze %dma_start3A_27 : memref<1x125xi32, #tpu.memory_space<vmem>> -> memref<125xi32, #tpu.memory_space<vmem>>
    %dma_start3A_29 = arith.constant 0 : i32
    %dma_start3A_30 = arith.constant 0 : i32
    %dma_start3A_31 = tpu.memref_slice %arg2[%dma_start3A_29, %dma_start3A_30] : memref<10000x32xf32, #tpu.memory_space<hbm>> -> memref<10000x32xf32, #tpu.memory_space<hbm>>
    tpu.enqueue_indirect_dma source(%dma_start3A_31 : memref<10000x32xf32, #tpu.memory_space<hbm>>) target(%arg12 : memref<125x32xf32, #tpu.memory_space<vmem>>) offsets(%dma_start3A_28 : memref<125xi32, #tpu.memory_space<vmem>>) semaphore(%arg17 : memref<!tpu.dma_semaphore, #tpu.memory_space<semaphore_mem>>)
    %scan3A = arith.constant 0 : i32
    %scan3A_32 = arith.constant 0 : i32
    %scan3A_33 = arith.constant 20 : i32
    %scan3A_34 = arith.addi %scan3A_32, %scan3A_33 : i32
    %scan3A_35 = arith.constant 1 : i32
    scf.for %scan3A_43 = %scan3A_32 to %scan3A_34 step %scan3A_35  : i32 {
      %mul3A_44 = arith.constant 4 : i32
      %mul3A_45 = arith.muli %scan3A_43, %mul3A_44 : i32
      %add3A_46 = arith.constant 0 : i32
      %add3A_47 = arith.addi %mul3A_45, %add3A_46 : i32
      %dma_wait3A = arith.constant 0 : i32
      %dma_wait3A_48 = arith.constant 0 : i32
      %dma_wait3A_49 = tpu.memref_slice %arg2[%dma_wait3A, %dma_wait3A_48] : memref<10000x32xf32, #tpu.memory_space<hbm>> -> memref<125x32xf32, #tpu.memory_space<hbm>>
      %dma_wait3A_50 = arith.constant 0 : i32
      %dma_wait3A_51 = arith.constant 0 : i32
      %dma_wait3A_52 = tpu.memref_slice %arg2[%dma_wait3A_50, %dma_wait3A_51] : memref<10000x32xf32, #tpu.memory_space<hbm>> -> memref<125x32xf32, #tpu.memory_space<hbm>>
      tpu.wait_dma2 semaphore(%arg14 : memref<!tpu.dma_semaphore, #tpu.memory_space<semaphore_mem>>) src(%dma_wait3A_52 : memref<125x32xf32, #tpu.memory_space<hbm>>) dst(%arg9 : memref<125x32xf32, #tpu.memory_space<vmem>>)
      "tpu.region"() ({
        %run_scoped3A = tpu.sem_alloc : memref<!tpu.dma_semaphore, #tpu.memory_space<semaphore_mem>>
        %dma_start3A_110 = arith.constant 0 : i32
        %dma_start3A_111 = tpu.memref_slice %arg8[%add3A_47, %dma_start3A_110] : memref<80x125xi32, #tpu.memory_space<vmem>> -> memref<1x125xi32, #tpu.memory_space<vmem>>
        %dma_start3A_112 = tpu.memref_squeeze %dma_start3A_111 : memref<1x125xi32, #tpu.memory_space<vmem>> -> memref<125xi32, #tpu.memory_space<vmem>>
        %dma_start3A_113 = arith.constant 0 : i32
        %dma_start3A_114 = arith.constant 0 : i32
        %dma_start3A_115 = tpu.memref_slice %arg13[%dma_start3A_113, %dma_start3A_114] : memref<10000x32xf32, #tpu.memory_space<vmem_shared>> -> memref<10000x32xf32, #tpu.memory_space<vmem_shared>>
        tpu.enqueue_indirect_dma source(%arg9 : memref<125x32xf32, #tpu.memory_space<vmem>>) target(%dma_start3A_115 : memref<10000x32xf32, #tpu.memory_space<vmem_shared>>) offsets(%dma_start3A_112 : memref<125xi32, #tpu.memory_space<vmem>>) semaphore(%run_scoped3A : memref<!tpu.dma_semaphore, #tpu.memory_space<semaphore_mem>>) {add = true}
        %dma_wait3A_116 = arith.constant 0 : i32
        %dma_wait3A_117 = tpu.memref_slice %arg8[%add3A_47, %dma_wait3A_116] : memref<80x125xi32, #tpu.memory_space<vmem>> -> memref<1x125xi32, #tpu.memory_space<vmem>>
        %dma_wait3A_118 = tpu.memref_squeeze %dma_wait3A_117 : memref<1x125xi32, #tpu.memory_space<vmem>> -> memref<125xi32, #tpu.memory_space<vmem>>
        %dma_wait3A_119 = arith.constant 0 : i32
        %dma_wait3A_120 = arith.constant 0 : i32
        %dma_wait3A_121 = tpu.memref_slice %arg13[%dma_wait3A_119, %dma_wait3A_120] : memref<10000x32xf32, #tpu.memory_space<vmem_shared>> -> memref<10000x32xf32, #tpu.memory_space<vmem_shared>>
        tpu.wait_indirect_dma semaphore(%run_scoped3A : memref<!tpu.dma_semaphore, #tpu.memory_space<semaphore_mem>>) src(%arg9 : memref<125x32xf32, #tpu.memory_space<vmem>>) dst(%dma_wait3A_121 : memref<10000x32xf32, #tpu.memory_space<vmem_shared>>)
        tpu.yield
      }) : () -> ()
      %add3A_53 = arith.constant 4 : i32
      %add3A_54 = arith.addi %add3A_47, %add3A_53 : i32
      %lt3A = arith.constant 80 : i32
      %lt3A_55 = arith.cmpi slt, %add3A_54, %lt3A : i32
      %convert_element_type3A_56 = arith.extui %lt3A_55 : i1 to i32
      %cond3A_57 = arith.constant 0 : i32
      %cond3A_58 = arith.cmpi ne, %convert_element_type3A_56, %cond3A_57 : i32
      scf.if %cond3A_58 {
        %add3A_110 = arith.constant 4 : i32
        %add3A_111 = arith.addi %add3A_47, %add3A_110 : i32
        %dma_start3A_112 = arith.constant 0 : i32
        %dma_start3A_113 = tpu.memref_slice %arg7[%add3A_111, %dma_start3A_112] : memref<80x125xi32, #tpu.memory_space<vmem>> -> memref<1x125xi32, #tpu.memory_space<vmem>>
        %dma_start3A_114 = tpu.memref_squeeze %dma_start3A_113 : memref<1x125xi32, #tpu.memory_space<vmem>> -> memref<125xi32, #tpu.memory_space<vmem>>
        %dma_start3A_115 = arith.constant 0 : i32
        %dma_start3A_116 = arith.constant 0 : i32
        %dma_start3A_117 = tpu.memref_slice %arg2[%dma_start3A_115, %dma_start3A_116] : memref<10000x32xf32, #tpu.memory_space<hbm>> -> memref<10000x32xf32, #tpu.memory_space<hbm>>
        tpu.enqueue_indirect_dma source(%dma_start3A_117 : memref<10000x32xf32, #tpu.memory_space<hbm>>) target(%arg9 : memref<125x32xf32, #tpu.memory_space<vmem>>) offsets(%dma_start3A_114 : memref<125xi32, #tpu.memory_space<vmem>>) semaphore(%arg14 : memref<!tpu.dma_semaphore, #tpu.memory_space<semaphore_mem>>)
      } else {
      }
      %mul3A_59 = arith.constant 4 : i32
      %mul3A_60 = arith.muli %scan3A_43, %mul3A_59 : i32
      %add3A_61 = arith.constant 1 : i32
      %add3A_62 = arith.addi %mul3A_60, %add3A_61 : i32
      %dma_wait3A_63 = arith.constant 0 : i32
      %dma_wait3A_64 = arith.constant 0 : i32
      %dma_wait3A_65 = tpu.memref_slice %arg2[%dma_wait3A_63, %dma_wait3A_64] : memref<10000x32xf32, #tpu.memory_space<hbm>> -> memref<125x32xf32, #tpu.memory_space<hbm>>
      %dma_wait3A_66 = arith.constant 0 : i32
      %dma_wait3A_67 = arith.constant 0 : i32
      %dma_wait3A_68 = tpu.memref_slice %arg2[%dma_wait3A_66, %dma_wait3A_67] : memref<10000x32xf32, #tpu.memory_space<hbm>> -> memref<125x32xf32, #tpu.memory_space<hbm>>
      tpu.wait_dma2 semaphore(%arg15 : memref<!tpu.dma_semaphore, #tpu.memory_space<semaphore_mem>>) src(%dma_wait3A_68 : memref<125x32xf32, #tpu.memory_space<hbm>>) dst(%arg10 : memref<125x32xf32, #tpu.memory_space<vmem>>)
      "tpu.region"() ({
        %run_scoped3A = tpu.sem_alloc : memref<!tpu.dma_semaphore, #tpu.memory_space<semaphore_mem>>
        %dma_start3A_110 = arith.constant 0 : i32
        %dma_start3A_111 = tpu.memref_slice %arg8[%add3A_62, %dma_start3A_110] : memref<80x125xi32, #tpu.memory_space<vmem>> -> memref<1x125xi32, #tpu.memory_space<vmem>>
        %dma_start3A_112 = tpu.memref_squeeze %dma_start3A_111 : memref<1x125xi32, #tpu.memory_space<vmem>> -> memref<125xi32, #tpu.memory_space<vmem>>
        %dma_start3A_113 = arith.constant 0 : i32
        %dma_start3A_114 = arith.constant 0 : i32
        %dma_start3A_115 = tpu.memref_slice %arg13[%dma_start3A_113, %dma_start3A_114] : memref<10000x32xf32, #tpu.memory_space<vmem_shared>> -> memref<10000x32xf32, #tpu.memory_space<vmem_shared>>
        tpu.enqueue_indirect_dma source(%arg10 : memref<125x32xf32, #tpu.memory_space<vmem>>) target(%dma_start3A_115 : memref<10000x32xf32, #tpu.memory_space<vmem_shared>>) offsets(%dma_start3A_112 : memref<125xi32, #tpu.memory_space<vmem>>) semaphore(%run_scoped3A : memref<!tpu.dma_semaphore, #tpu.memory_space<semaphore_mem>>) {add = true}
        %dma_wait3A_116 = arith.constant 0 : i32
        %dma_wait3A_117 = tpu.memref_slice %arg8[%add3A_62, %dma_wait3A_116] : memref<80x125xi32, #tpu.memory_space<vmem>> -> memref<1x125xi32, #tpu.memory_space<vmem>>
        %dma_wait3A_118 = tpu.memref_squeeze %dma_wait3A_117 : memref<1x125xi32, #tpu.memory_space<vmem>> -> memref<125xi32, #tpu.memory_space<vmem>>
        %dma_wait3A_119 = arith.constant 0 : i32
        %dma_wait3A_120 = arith.constant 0 : i32
        %dma_wait3A_121 = tpu.memref_slice %arg13[%dma_wait3A_119, %dma_wait3A_120] : memref<10000x32xf32, #tpu.memory_space<vmem_shared>> -> memref<10000x32xf32, #tpu.memory_space<vmem_shared>>
        tpu.wait_indirect_dma semaphore(%run_scoped3A : memref<!tpu.dma_semaphore, #tpu.memory_space<semaphore_mem>>) src(%arg10 : memref<125x32xf32, #tpu.memory_space<vmem>>) dst(%dma_wait3A_121 : memref<10000x32xf32, #tpu.memory_space<vmem_shared>>)
        tpu.yield
      }) : () -> ()
      %add3A_69 = arith.constant 4 : i32
      %add3A_70 = arith.addi %add3A_62, %add3A_69 : i32
      %lt3A_71 = arith.constant 80 : i32
      %lt3A_72 = arith.cmpi slt, %add3A_70, %lt3A_71 : i32
      %convert_element_type3A_73 = arith.extui %lt3A_72 : i1 to i32
      %cond3A_74 = arith.constant 0 : i32
      %cond3A_75 = arith.cmpi ne, %convert_element_type3A_73, %cond3A_74 : i32
      scf.if %cond3A_75 {
        %add3A_110 = arith.constant 4 : i32
        %add3A_111 = arith.addi %add3A_62, %add3A_110 : i32
        %dma_start3A_112 = arith.constant 0 : i32
        %dma_start3A_113 = tpu.memref_slice %arg7[%add3A_111, %dma_start3A_112] : memref<80x125xi32, #tpu.memory_space<vmem>> -> memref<1x125xi32, #tpu.memory_space<vmem>>
        %dma_start3A_114 = tpu.memref_squeeze %dma_start3A_113 : memref<1x125xi32, #tpu.memory_space<vmem>> -> memref<125xi32, #tpu.memory_space<vmem>>
        %dma_start3A_115 = arith.constant 0 : i32
        %dma_start3A_116 = arith.constant 0 : i32
        %dma_start3A_117 = tpu.memref_slice %arg2[%dma_start3A_115, %dma_start3A_116] : memref<10000x32xf32, #tpu.memory_space<hbm>> -> memref<10000x32xf32, #tpu.memory_space<hbm>>
        tpu.enqueue_indirect_dma source(%dma_start3A_117 : memref<10000x32xf32, #tpu.memory_space<hbm>>) target(%arg10 : memref<125x32xf32, #tpu.memory_space<vmem>>) offsets(%dma_start3A_114 : memref<125xi32, #tpu.memory_space<vmem>>) semaphore(%arg15 : memref<!tpu.dma_semaphore, #tpu.memory_space<semaphore_mem>>)
      } else {
      }
      %mul3A_76 = arith.constant 4 : i32
      %mul3A_77 = arith.muli %scan3A_43, %mul3A_76 : i32
      %add3A_78 = arith.constant 2 : i32
      %add3A_79 = arith.addi %mul3A_77, %add3A_78 : i32
      %dma_wait3A_80 = arith.constant 0 : i32
      %dma_wait3A_81 = arith.constant 0 : i32
      %dma_wait3A_82 = tpu.memref_slice %arg2[%dma_wait3A_80, %dma_wait3A_81] : memref<10000x32xf32, #tpu.memory_space<hbm>> -> memref<125x32xf32, #tpu.memory_space<hbm>>
      %dma_wait3A_83 = arith.constant 0 : i32
      %dma_wait3A_84 = arith.constant 0 : i32
      %dma_wait3A_85 = tpu.memref_slice %arg2[%dma_wait3A_83, %dma_wait3A_84] : memref<10000x32xf32, #tpu.memory_space<hbm>> -> memref<125x32xf32, #tpu.memory_space<hbm>>
      tpu.wait_dma2 semaphore(%arg16 : memref<!tpu.dma_semaphore, #tpu.memory_space<semaphore_mem>>) src(%dma_wait3A_85 : memref<125x32xf32, #tpu.memory_space<hbm>>) dst(%arg11 : memref<125x32xf32, #tpu.memory_space<vmem>>)
      "tpu.region"() ({
        %run_scoped3A = tpu.sem_alloc : memref<!tpu.dma_semaphore, #tpu.memory_space<semaphore_mem>>
        %dma_start3A_110 = arith.constant 0 : i32
        %dma_start3A_111 = tpu.memref_slice %arg8[%add3A_79, %dma_start3A_110] : memref<80x125xi32, #tpu.memory_space<vmem>> -> memref<1x125xi32, #tpu.memory_space<vmem>>
        %dma_start3A_112 = tpu.memref_squeeze %dma_start3A_111 : memref<1x125xi32, #tpu.memory_space<vmem>> -> memref<125xi32, #tpu.memory_space<vmem>>
        %dma_start3A_113 = arith.constant 0 : i32
        %dma_start3A_114 = arith.constant 0 : i32
        %dma_start3A_115 = tpu.memref_slice %arg13[%dma_start3A_113, %dma_start3A_114] : memref<10000x32xf32, #tpu.memory_space<vmem_shared>> -> memref<10000x32xf32, #tpu.memory_space<vmem_shared>>
        tpu.enqueue_indirect_dma source(%arg11 : memref<125x32xf32, #tpu.memory_space<vmem>>) target(%dma_start3A_115 : memref<10000x32xf32, #tpu.memory_space<vmem_shared>>) offsets(%dma_start3A_112 : memref<125xi32, #tpu.memory_space<vmem>>) semaphore(%run_scoped3A : memref<!tpu.dma_semaphore, #tpu.memory_space<semaphore_mem>>) {add = true}
        %dma_wait3A_116 = arith.constant 0 : i32
        %dma_wait3A_117 = tpu.memref_slice %arg8[%add3A_79, %dma_wait3A_116] : memref<80x125xi32, #tpu.memory_space<vmem>> -> memref<1x125xi32, #tpu.memory_space<vmem>>
        %dma_wait3A_118 = tpu.memref_squeeze %dma_wait3A_117 : memref<1x125xi32, #tpu.memory_space<vmem>> -> memref<125xi32, #tpu.memory_space<vmem>>
        %dma_wait3A_119 = arith.constant 0 : i32
        %dma_wait3A_120 = arith.constant 0 : i32
        %dma_wait3A_121 = tpu.memref_slice %arg13[%dma_wait3A_119, %dma_wait3A_120] : memref<10000x32xf32, #tpu.memory_space<vmem_shared>> -> memref<10000x32xf32, #tpu.memory_space<vmem_shared>>
        tpu.wait_indirect_dma semaphore(%run_scoped3A : memref<!tpu.dma_semaphore, #tpu.memory_space<semaphore_mem>>) src(%arg11 : memref<125x32xf32, #tpu.memory_space<vmem>>) dst(%dma_wait3A_121 : memref<10000x32xf32, #tpu.memory_space<vmem_shared>>)
        tpu.yield
      }) : () -> ()
      %add3A_86 = arith.constant 4 : i32
      %add3A_87 = arith.addi %add3A_79, %add3A_86 : i32
      %lt3A_88 = arith.constant 80 : i32
      %lt3A_89 = arith.cmpi slt, %add3A_87, %lt3A_88 : i32
      %convert_element_type3A_90 = arith.extui %lt3A_89 : i1 to i32
      %cond3A_91 = arith.constant 0 : i32
      %cond3A_92 = arith.cmpi ne, %convert_element_type3A_90, %cond3A_91 : i32
      scf.if %cond3A_92 {
        %add3A_110 = arith.constant 4 : i32
        %add3A_111 = arith.addi %add3A_79, %add3A_110 : i32
        %dma_start3A_112 = arith.constant 0 : i32
        %dma_start3A_113 = tpu.memref_slice %arg7[%add3A_111, %dma_start3A_112] : memref<80x125xi32, #tpu.memory_space<vmem>> -> memref<1x125xi32, #tpu.memory_space<vmem>>
        %dma_start3A_114 = tpu.memref_squeeze %dma_start3A_113 : memref<1x125xi32, #tpu.memory_space<vmem>> -> memref<125xi32, #tpu.memory_space<vmem>>
        %dma_start3A_115 = arith.constant 0 : i32
        %dma_start3A_116 = arith.constant 0 : i32
        %dma_start3A_117 = tpu.memref_slice %arg2[%dma_start3A_115, %dma_start3A_116] : memref<10000x32xf32, #tpu.memory_space<hbm>> -> memref<10000x32xf32, #tpu.memory_space<hbm>>
        tpu.enqueue_indirect_dma source(%dma_start3A_117 : memref<10000x32xf32, #tpu.memory_space<hbm>>) target(%arg11 : memref<125x32xf32, #tpu.memory_space<vmem>>) offsets(%dma_start3A_114 : memref<125xi32, #tpu.memory_space<vmem>>) semaphore(%arg16 : memref<!tpu.dma_semaphore, #tpu.memory_space<semaphore_mem>>)
      } else {
      }
      %mul3A_93 = arith.constant 4 : i32
      %mul3A_94 = arith.muli %scan3A_43, %mul3A_93 : i32
      %add3A_95 = arith.constant 3 : i32
      %add3A_96 = arith.addi %mul3A_94, %add3A_95 : i32
      %dma_wait3A_97 = arith.constant 0 : i32
      %dma_wait3A_98 = arith.constant 0 : i32
      %dma_wait3A_99 = tpu.memref_slice %arg2[%dma_wait3A_97, %dma_wait3A_98] : memref<10000x32xf32, #tpu.memory_space<hbm>> -> memref<125x32xf32, #tpu.memory_space<hbm>>
      %dma_wait3A_100 = arith.constant 0 : i32
      %dma_wait3A_101 = arith.constant 0 : i32
      %dma_wait3A_102 = tpu.memref_slice %arg2[%dma_wait3A_100, %dma_wait3A_101] : memref<10000x32xf32, #tpu.memory_space<hbm>> -> memref<125x32xf32, #tpu.memory_space<hbm>>
      tpu.wait_dma2 semaphore(%arg17 : memref<!tpu.dma_semaphore, #tpu.memory_space<semaphore_mem>>) src(%dma_wait3A_102 : memref<125x32xf32, #tpu.memory_space<hbm>>) dst(%arg12 : memref<125x32xf32, #tpu.memory_space<vmem>>)
      "tpu.region"() ({
        %run_scoped3A = tpu.sem_alloc : memref<!tpu.dma_semaphore, #tpu.memory_space<semaphore_mem>>
        %dma_start3A_110 = arith.constant 0 : i32
        %dma_start3A_111 = tpu.memref_slice %arg8[%add3A_96, %dma_start3A_110] : memref<80x125xi32, #tpu.memory_space<vmem>> -> memref<1x125xi32, #tpu.memory_space<vmem>>
        %dma_start3A_112 = tpu.memref_squeeze %dma_start3A_111 : memref<1x125xi32, #tpu.memory_space<vmem>> -> memref<125xi32, #tpu.memory_space<vmem>>
        %dma_start3A_113 = arith.constant 0 : i32
        %dma_start3A_114 = arith.constant 0 : i32
        %dma_start3A_115 = tpu.memref_slice %arg13[%dma_start3A_113, %dma_start3A_114] : memref<10000x32xf32, #tpu.memory_space<vmem_shared>> -> memref<10000x32xf32, #tpu.memory_space<vmem_shared>>
        tpu.enqueue_indirect_dma source(%arg12 : memref<125x32xf32, #tpu.memory_space<vmem>>) target(%dma_start3A_115 : memref<10000x32xf32, #tpu.memory_space<vmem_shared>>) offsets(%dma_start3A_112 : memref<125xi32, #tpu.memory_space<vmem>>) semaphore(%run_scoped3A : memref<!tpu.dma_semaphore, #tpu.memory_space<semaphore_mem>>) {add = true}
        %dma_wait3A_116 = arith.constant 0 : i32
        %dma_wait3A_117 = tpu.memref_slice %arg8[%add3A_96, %dma_wait3A_116] : memref<80x125xi32, #tpu.memory_space<vmem>> -> memref<1x125xi32, #tpu.memory_space<vmem>>
        %dma_wait3A_118 = tpu.memref_squeeze %dma_wait3A_117 : memref<1x125xi32, #tpu.memory_space<vmem>> -> memref<125xi32, #tpu.memory_space<vmem>>
        %dma_wait3A_119 = arith.constant 0 : i32
        %dma_wait3A_120 = arith.constant 0 : i32
        %dma_wait3A_121 = tpu.memref_slice %arg13[%dma_wait3A_119, %dma_wait3A_120] : memref<10000x32xf32, #tpu.memory_space<vmem_shared>> -> memref<10000x32xf32, #tpu.memory_space<vmem_shared>>
        tpu.wait_indirect_dma semaphore(%run_scoped3A : memref<!tpu.dma_semaphore, #tpu.memory_space<semaphore_mem>>) src(%arg12 : memref<125x32xf32, #tpu.memory_space<vmem>>) dst(%dma_wait3A_121 : memref<10000x32xf32, #tpu.memory_space<vmem_shared>>)
        tpu.yield
      }) : () -> ()
      %add3A_103 = arith.constant 4 : i32
      %add3A_104 = arith.addi %add3A_96, %add3A_103 : i32
      %lt3A_105 = arith.constant 80 : i32
      %lt3A_106 = arith.cmpi slt, %add3A_104, %lt3A_105 : i32
      %convert_element_type3A_107 = arith.extui %lt3A_106 : i1 to i32
      %cond3A_108 = arith.constant 0 : i32
      %cond3A_109 = arith.cmpi ne, %convert_element_type3A_107, %cond3A_108 : i32
      scf.if %cond3A_109 {
        %add3A_110 = arith.constant 4 : i32
        %add3A_111 = arith.addi %add3A_96, %add3A_110 : i32
        %dma_start3A_112 = arith.constant 0 : i32
        %dma_start3A_113 = tpu.memref_slice %arg7[%add3A_111, %dma_start3A_112] : memref<80x125xi32, #tpu.memory_space<vmem>> -> memref<1x125xi32, #tpu.memory_space<vmem>>
        %dma_start3A_114 = tpu.memref_squeeze %dma_start3A_113 : memref<1x125xi32, #tpu.memory_space<vmem>> -> memref<125xi32, #tpu.memory_space<vmem>>
        %dma_start3A_115 = arith.constant 0 : i32
        %dma_start3A_116 = arith.constant 0 : i32
        %dma_start3A_117 = tpu.memref_slice %arg2[%dma_start3A_115, %dma_start3A_116] : memref<10000x32xf32, #tpu.memory_space<hbm>> -> memref<10000x32xf32, #tpu.memory_space<hbm>>
        tpu.enqueue_indirect_dma source(%dma_start3A_117 : memref<10000x32xf32, #tpu.memory_space<hbm>>) target(%arg12 : memref<125x32xf32, #tpu.memory_space<vmem>>) offsets(%dma_start3A_114 : memref<125xi32, #tpu.memory_space<vmem>>) semaphore(%arg17 : memref<!tpu.dma_semaphore, #tpu.memory_space<semaphore_mem>>)
      } else {
      }
    }
    %scan3A_36 = arith.constant 20 : i32
    %barrier3A_37 = arith.constant 0 : index
    tpu.barrier barrier_id(%barrier3A_37)
    "tpu.region"() ({
      %run_scoped3A = tpu.sem_alloc : memref<!tpu.dma_semaphore, #tpu.memory_space<semaphore_mem>>
      %dma_start3A_43 = arith.constant 0 : i32
      %dma_start3A_44 = tpu.memref_slice %arg6[%arg0, %mul3A_2, %dma_start3A_43] : memref<2x10000x32xf32, #tpu.memory_space<hbm>> -> memref<1x624x32xf32, #tpu.memory_space<hbm>>
      %dma_start3A_45 = tpu.memref_squeeze %dma_start3A_44 : memref<1x624x32xf32, #tpu.memory_space<hbm>> -> memref<624x32xf32, #tpu.memory_space<hbm>>
      %dma_start3A_46 = arith.constant 0 : i32
      %dma_start3A_47 = tpu.memref_slice %arg13[%mul3A_2, %dma_start3A_46] : memref<10000x32xf32, #tpu.memory_space<vmem_shared>> -> memref<624x32xf32, #tpu.memory_space<vmem_shared>>
      tpu.enqueue_dma source(%dma_start3A_47 : memref<624x32xf32, #tpu.memory_space<vmem_shared>>) target(%dma_start3A_45 : memref<624x32xf32, #tpu.memory_space<hbm>>) target_semaphore(%run_scoped3A : memref<!tpu.dma_semaphore, #tpu.memory_space<semaphore_mem>>)
      %dma_wait3A = arith.constant 0 : i32
      %dma_wait3A_48 = tpu.memref_slice %arg6[%arg0, %mul3A_2, %dma_wait3A] : memref<2x10000x32xf32, #tpu.memory_space<hbm>> -> memref<1x624x32xf32, #tpu.memory_space<hbm>>
      %dma_wait3A_49 = tpu.memref_squeeze %dma_wait3A_48 : memref<1x624x32xf32, #tpu.memory_space<hbm>> -> memref<624x32xf32, #tpu.memory_space<hbm>>
      %dma_wait3A_50 = arith.constant 0 : i32
      %dma_wait3A_51 = tpu.memref_slice %arg13[%mul3A_2, %dma_wait3A_50] : memref<10000x32xf32, #tpu.memory_space<vmem_shared>> -> memref<624x32xf32, #tpu.memory_space<vmem_shared>>
      tpu.wait_dma2 semaphore(%run_scoped3A : memref<!tpu.dma_semaphore, #tpu.memory_space<semaphore_mem>>) src(%dma_wait3A_51 : memref<624x32xf32, #tpu.memory_space<vmem_shared>>) dst(%dma_wait3A_49 : memref<624x32xf32, #tpu.memory_space<hbm>>)
      tpu.yield
    }) : () -> ()
    %eq3A_38 = arith.constant 15 : i32
    %eq3A_39 = arith.cmpi eq, %arg1, %eq3A_38 : i32
    %convert_element_type3A_40 = arith.extui %eq3A_39 : i1 to i32
    %cond3A_41 = arith.constant 0 : i32
    %cond3A_42 = arith.cmpi ne, %convert_element_type3A_40, %cond3A_41 : i32
    scf.if %cond3A_42 {
      "tpu.region"() ({
        %run_scoped3A = tpu.sem_alloc : memref<!tpu.dma_semaphore, #tpu.memory_space<semaphore_mem>>
        %dma_start3A_43 = arith.constant 9984 : i32
        %dma_start3A_44 = arith.constant 0 : i32
        %dma_start3A_45 = tpu.memref_slice %arg6[%arg0, %dma_start3A_43, %dma_start3A_44] : memref<2x10000x32xf32, #tpu.memory_space<hbm>> -> memref<1x16x32xf32, #tpu.memory_space<hbm>>
        %dma_start3A_46 = tpu.memref_squeeze %dma_start3A_45 : memref<1x16x32xf32, #tpu.memory_space<hbm>> -> memref<16x32xf32, #tpu.memory_space<hbm>>
        %dma_start3A_47 = arith.constant 9984 : i32
        %dma_start3A_48 = arith.constant 0 : i32
        %dma_start3A_49 = tpu.memref_slice %arg13[%dma_start3A_47, %dma_start3A_48] : memref<10000x32xf32, #tpu.memory_space<vmem_shared>> -> memref<16x32xf32, #tpu.memory_space<vmem_shared>>
        tpu.enqueue_dma source(%dma_start3A_49 : memref<16x32xf32, #tpu.memory_space<vmem_shared>>) target(%dma_start3A_46 : memref<16x32xf32, #tpu.memory_space<hbm>>) target_semaphore(%run_scoped3A : memref<!tpu.dma_semaphore, #tpu.memory_space<semaphore_mem>>)
        %dma_wait3A = arith.constant 9984 : i32
        %dma_wait3A_50 = arith.constant 0 : i32
        %dma_wait3A_51 = tpu.memref_slice %arg6[%arg0, %dma_wait3A, %dma_wait3A_50] : memref<2x10000x32xf32, #tpu.memory_space<hbm>> -> memref<1x16x32xf32, #tpu.memory_space<hbm>>
        %dma_wait3A_52 = tpu.memref_squeeze %dma_wait3A_51 : memref<1x16x32xf32, #tpu.memory_space<hbm>> -> memref<16x32xf32, #tpu.memory_space<hbm>>
        %dma_wait3A_53 = arith.constant 9984 : i32
        %dma_wait3A_54 = arith.constant 0 : i32
        %dma_wait3A_55 = tpu.memref_slice %arg13[%dma_wait3A_53, %dma_wait3A_54] : memref<10000x32xf32, #tpu.memory_space<vmem_shared>> -> memref<16x32xf32, #tpu.memory_space<vmem_shared>>
        tpu.wait_dma2 semaphore(%run_scoped3A : memref<!tpu.dma_semaphore, #tpu.memory_space<semaphore_mem>>) src(%dma_wait3A_55 : memref<16x32xf32, #tpu.memory_space<vmem_shared>>) dst(%dma_wait3A_52 : memref<16x32xf32, #tpu.memory_space<hbm>>)
        tpu.yield
      }) : () -> ()
    } else {
    }
    return
  }
}

module attributes {stable_mosaic.version = 14 : i64} {
  func.func @_mm1_body(%arg0: i32, %arg1: memref<400x128xf32, #tpu.memory_space<vmem>>, %arg2: memref<128x32xf32, #tpu.memory_space<vmem>>, %arg3: memref<400x32xf32, #tpu.memory_space<vmem>>) attributes {dimension_semantics = [#tpu.dimension_semantics<arbitrary>], iteration_bounds = array<i64: 25>, scalar_prefetch = 0 : i64, scratch_operands = 0 : i64, tpu.core_type = #tpu.core_type<tc>, window_params = [{transform_indices = @transform_0, window_bounds = array<i64: 400, 128>}, {pipeline_mode = #tpu.pipeline_mode<synchronous>, transform_indices = @transform_1, window_bounds = array<i64: 128, 32>}, {transform_indices = @transform_2, window_bounds = array<i64: 400, 32>}]} {
    %get3A = arith.constant 0 : index
    %get3A_0 = arith.constant 0 : index
    %get3A_1 = vector.load %arg1[%get3A, %get3A_0] : memref<400x128xf32, #tpu.memory_space<vmem>>, vector<400x128xf32>
    %get3A_2 = arith.constant 0 : index
    %get3A_3 = arith.constant 0 : index
    %get3A_4 = vector.load %arg2[%get3A_2, %get3A_3] : memref<128x32xf32, #tpu.memory_space<vmem>>, vector<128x32xf32>
    %dot_general3A = arith.constant dense<0.000000e+00> : vector<400x32xf32>
    %dot_general3A_5 = tpu.matmul %get3A_1, %get3A_4, %dot_general3A {dimension_numbers = #tpu.dot_dimension_numbers<[1], [0], [0], [1], [0, 0, 1, 1], [], []>, transpose_lhs_hint = false} : vector<400x128xf32>, vector<128x32xf32>, vector<400x32xf32> -> vector<400x32xf32>
    %swap3A = arith.constant 0 : index
    %swap3A_6 = arith.constant 0 : index
    %swap3A_7 = vector.load %arg3[%swap3A, %swap3A_6] : memref<400x32xf32, #tpu.memory_space<vmem>>, vector<400x32xf32>
    tpu.vector_store %arg3[%swap3A, %swap3A_6], %dot_general3A_5 {strides = array<i32>} : memref<400x32xf32, #tpu.memory_space<vmem>>, vector<400x32xf32>,
    return
  }
  func.func @transform_0(%arg0: i32) -> (i32, i32) {
    %c0_i32 = arith.constant 0 : i32
    %c0_i32_0 = arith.constant 0 : i32
    return %arg0, %c0_i32 : i32, i32
  }
  func.func @transform_1(%arg0: i32) -> (i32, i32) {
    %c0_i32 = arith.constant 0 : i32
    %c0_i32_0 = arith.constant 0 : i32
    %c0_i32_1 = arith.constant 0 : i32
    return %c0_i32, %c0_i32_0 : i32, i32
  }
  func.func @transform_2(%arg0: i32) -> (i32, i32) {
    %c0_i32 = arith.constant 0 : i32
    %c0_i32_0 = arith.constant 0 : i32
    return %arg0, %c0_i32 : i32, i32
  }
}

module attributes {stable_mosaic.version = 14 : i64} {
  func.func @_scale_body(%arg0: i32, %arg1: memref<400x1xf32, #tpu.memory_space<vmem>>, %arg2: memref<400x1xf32, #tpu.memory_space<vmem>>, %arg3: memref<400x32xf32, #tpu.memory_space<vmem>>, %arg4: memref<400x1xf32, #tpu.memory_space<vmem>>, %arg5: memref<400x32xf32, #tpu.memory_space<vmem>>) attributes {dimension_semantics = [#tpu.dimension_semantics<arbitrary>], iteration_bounds = array<i64: 25>, scalar_prefetch = 0 : i64, scratch_operands = 0 : i64, tpu.core_type = #tpu.core_type<tc>, window_params = [{transform_indices = @transform_0, window_bounds = array<i64: 400, 1>}, {transform_indices = @transform_1, window_bounds = array<i64: 400, 1>}, {transform_indices = @transform_2, window_bounds = array<i64: 400, 32>}, {transform_indices = @transform_3, window_bounds = array<i64: 400, 1>}, {transform_indices = @transform_4, window_bounds = array<i64: 400, 32>}]} {
    %get3A = arith.constant 0 : index
    %get3A_0 = arith.constant 0 : index
    %get3A_1 = vector.load %arg1[%get3A, %get3A_0] : memref<400x1xf32, #tpu.memory_space<vmem>>, vector<400x1xf32>
    %get3A_2 = arith.constant 0 : index
    %get3A_3 = arith.constant 0 : index
    %get3A_4 = vector.load %arg2[%get3A_2, %get3A_3] : memref<400x1xf32, #tpu.memory_space<vmem>>, vector<400x1xf32>
    %add3A = arith.addf %get3A_1, %get3A_4 : vector<400x1xf32>
    %add3A_5 = arith.constant 1.000000e+00 : f32
    %add3A_6 = vector.broadcast %add3A_5 : f32 to vector<400x1xf32>
    %add3A_7 = arith.addf %add3A, %add3A_6 : vector<400x1xf32>
    %rsqrt3A = math.rsqrt %add3A_7 : vector<400x1xf32>
    %swap3A = arith.constant 0 : index
    %swap3A_8 = arith.constant 0 : index
    %swap3A_9 = vector.load %arg4[%swap3A, %swap3A_8] : memref<400x1xf32, #tpu.memory_space<vmem>>, vector<400x1xf32>
    tpu.vector_store %arg4[%swap3A, %swap3A_8], %rsqrt3A {strides = array<i32>} : memref<400x1xf32, #tpu.memory_space<vmem>>, vector<400x1xf32>,
    %get3A_10 = arith.constant 0 : index
    %get3A_11 = arith.constant 0 : index
    %get3A_12 = vector.load %arg3[%get3A_10, %get3A_11] : memref<400x32xf32, #tpu.memory_space<vmem>>, vector<400x32xf32>
    %mul3A = vector.broadcast %rsqrt3A : vector<400x1xf32> to vector<400x32xf32>
    %mul3A_13 = arith.mulf %mul3A, %get3A_12 : vector<400x32xf32>
    %swap3A_14 = arith.constant 0 : index
    %swap3A_15 = arith.constant 0 : index
    %swap3A_16 = vector.load %arg5[%swap3A_14, %swap3A_15] : memref<400x32xf32, #tpu.memory_space<vmem>>, vector<400x32xf32>
    tpu.vector_store %arg5[%swap3A_14, %swap3A_15], %mul3A_13 {strides = array<i32>} : memref<400x32xf32, #tpu.memory_space<vmem>>, vector<400x32xf32>,
    return
  }
  func.func @transform_0(%arg0: i32) -> (i32, i32) {
    %c0_i32 = arith.constant 0 : i32
    %c0_i32_0 = arith.constant 0 : i32
    return %arg0, %c0_i32 : i32, i32
  }
  func.func @transform_1(%arg0: i32) -> (i32, i32) {
    %c0_i32 = arith.constant 0 : i32
    %c0_i32_0 = arith.constant 0 : i32
    return %arg0, %c0_i32 : i32, i32
  }
  func.func @transform_2(%arg0: i32) -> (i32, i32) {
    %c0_i32 = arith.constant 0 : i32
    %c0_i32_0 = arith.constant 0 : i32
    return %arg0, %c0_i32 : i32, i32
  }
  func.func @transform_3(%arg0: i32) -> (i32, i32) {
    %c0_i32 = arith.constant 0 : i32
    %c0_i32_0 = arith.constant 0 : i32
    return %arg0, %c0_i32 : i32, i32
  }
  func.func @transform_4(%arg0: i32) -> (i32, i32) {
    %c0_i32 = arith.constant 0 : i32
    %c0_i32_0 = arith.constant 0 : i32
    return %arg0, %c0_i32 : i32, i32
  }
}

module attributes {stable_mosaic.version = 14 : i64} {
  func.func @_l2_body(%arg0: i32, %arg1: memref<400x32xf32, #tpu.memory_space<vmem>>, %arg2: memref<400x32xf32, #tpu.memory_space<vmem>>, %arg3: memref<400x32xf32, #tpu.memory_space<vmem>>, %arg4: memref<400x1xf32, #tpu.memory_space<vmem>>, %arg5: memref<32x16xf32, #tpu.memory_space<vmem>>, %arg6: memref<400x16xf32, #tpu.memory_space<vmem>>) attributes {dimension_semantics = [#tpu.dimension_semantics<arbitrary>], iteration_bounds = array<i64: 25>, scalar_prefetch = 0 : i64, scratch_operands = 0 : i64, tpu.core_type = #tpu.core_type<tc>, window_params = [{transform_indices = @transform_0, window_bounds = array<i64: 400, 32>}, {transform_indices = @transform_1, window_bounds = array<i64: 400, 32>}, {transform_indices = @transform_2, window_bounds = array<i64: 400, 32>}, {transform_indices = @transform_3, window_bounds = array<i64: 400, 1>}, {pipeline_mode = #tpu.pipeline_mode<synchronous>, transform_indices = @transform_4, window_bounds = array<i64: 32, 16>}, {transform_indices = @transform_5, window_bounds = array<i64: 400, 16>}]} {
    %get3A = arith.constant 0 : index
    %get3A_0 = arith.constant 0 : index
    %get3A_1 = vector.load %arg4[%get3A, %get3A_0] : memref<400x1xf32, #tpu.memory_space<vmem>>, vector<400x1xf32>
    %get3A_2 = arith.constant 0 : index
    %get3A_3 = arith.constant 0 : index
    %get3A_4 = vector.load %arg1[%get3A_2, %get3A_3] : memref<400x32xf32, #tpu.memory_space<vmem>>, vector<400x32xf32>
    %get3A_5 = arith.constant 0 : index
    %get3A_6 = arith.constant 0 : index
    %get3A_7 = vector.load %arg2[%get3A_5, %get3A_6] : memref<400x32xf32, #tpu.memory_space<vmem>>, vector<400x32xf32>
    %add3A = arith.addf %get3A_4, %get3A_7 : vector<400x32xf32>
    %get3A_8 = arith.constant 0 : index
    %get3A_9 = arith.constant 0 : index
    %get3A_10 = vector.load %arg3[%get3A_8, %get3A_9] : memref<400x32xf32, #tpu.memory_space<vmem>>, vector<400x32xf32>
    %add3A_11 = arith.addf %add3A, %get3A_10 : vector<400x32xf32>
    %mul3A = vector.broadcast %get3A_1 : vector<400x1xf32> to vector<400x32xf32>
    %mul3A_12 = arith.mulf %mul3A, %add3A_11 : vector<400x32xf32>
    %max3A = arith.constant 0.000000e+00 : f32
    %max3A_13 = vector.broadcast %max3A : f32 to vector<400x32xf32>
    %max3A_14 = arith.maximumf %mul3A_12, %max3A_13 : vector<400x32xf32>
    %get3A_15 = arith.constant 0 : index
    %get3A_16 = arith.constant 0 : index
    %get3A_17 = vector.load %arg4[%get3A_15, %get3A_16] : memref<400x1xf32, #tpu.memory_space<vmem>>, vector<400x1xf32>
    %get3A_18 = arith.constant 0 : index
    %get3A_19 = arith.constant 0 : index
    %get3A_20 = vector.load %arg5[%get3A_18, %get3A_19] : memref<32x16xf32, #tpu.memory_space<vmem>>, vector<32x16xf32>
    %dot_general3A = arith.constant dense<0.000000e+00> : vector<400x16xf32>
    %dot_general3A_21 = tpu.matmul %max3A_14, %get3A_20, %dot_general3A {dimension_numbers = #tpu.dot_dimension_numbers<[1], [0], [0], [1], [0, 0, 1, 1], [], []>, transpose_lhs_hint = false} : vector<400x32xf32>, vector<32x16xf32>, vector<400x16xf32> -> vector<400x16xf32>
    %mul3A_22 = vector.broadcast %get3A_17 : vector<400x1xf32> to vector<400x16xf32>
    %mul3A_23 = arith.mulf %mul3A_22, %dot_general3A_21 : vector<400x16xf32>
    %swap3A = arith.constant 0 : index
    %swap3A_24 = arith.constant 0 : index
    %swap3A_25 = vector.load %arg6[%swap3A, %swap3A_24] : memref<400x16xf32, #tpu.memory_space<vmem>>, vector<400x16xf32>
    tpu.vector_store %arg6[%swap3A, %swap3A_24], %mul3A_23 {strides = array<i32>} : memref<400x16xf32, #tpu.memory_space<vmem>>, vector<400x16xf32>,
    return
  }
  func.func @transform_0(%arg0: i32) -> (i32, i32) {
    %c0_i32 = arith.constant 0 : i32
    %c0_i32_0 = arith.constant 0 : i32
    return %arg0, %c0_i32 : i32, i32
  }
  func.func @transform_1(%arg0: i32) -> (i32, i32) {
    %c0_i32 = arith.constant 0 : i32
    %c0_i32_0 = arith.constant 0 : i32
    return %arg0, %c0_i32 : i32, i32
  }
  func.func @transform_2(%arg0: i32) -> (i32, i32) {
    %c0_i32 = arith.constant 0 : i32
    %c0_i32_0 = arith.constant 0 : i32
    return %arg0, %c0_i32 : i32, i32
  }
  func.func @transform_3(%arg0: i32) -> (i32, i32) {
    %c0_i32 = arith.constant 0 : i32
    %c0_i32_0 = arith.constant 0 : i32
    return %arg0, %c0_i32 : i32, i32
  }
  func.func @transform_4(%arg0: i32) -> (i32, i32) {
    %c0_i32 = arith.constant 0 : i32
    %c0_i32_0 = arith.constant 0 : i32
    %c0_i32_1 = arith.constant 0 : i32
    return %c0_i32, %c0_i32_0 : i32, i32
  }
  func.func @transform_5(%arg0: i32) -> (i32, i32) {
    %c0_i32 = arith.constant 0 : i32
    %c0_i32_0 = arith.constant 0 : i32
    return %arg0, %c0_i32 : i32, i32
  }
}

module attributes {stable_mosaic.version = 14 : i64} {
  func.func @_fin_body(%arg0: i32, %arg1: memref<400x16xf32, #tpu.memory_space<vmem>>, %arg2: memref<400x16xf32, #tpu.memory_space<vmem>>, %arg3: memref<400x16xf32, #tpu.memory_space<vmem>>, %arg4: memref<400x1xf32, #tpu.memory_space<vmem>>, %arg5: memref<400x16xf32, #tpu.memory_space<vmem>>) attributes {dimension_semantics = [#tpu.dimension_semantics<arbitrary>], iteration_bounds = array<i64: 25>, scalar_prefetch = 0 : i64, scratch_operands = 0 : i64, tpu.core_type = #tpu.core_type<tc>, window_params = [{transform_indices = @transform_0, window_bounds = array<i64: 400, 16>}, {transform_indices = @transform_1, window_bounds = array<i64: 400, 16>}, {transform_indices = @transform_2, window_bounds = array<i64: 400, 16>}, {transform_indices = @transform_3, window_bounds = array<i64: 400, 1>}, {transform_indices = @transform_4, window_bounds = array<i64: 400, 16>}]} {
    %get3A = arith.constant 0 : index
    %get3A_0 = arith.constant 0 : index
    %get3A_1 = vector.load %arg4[%get3A, %get3A_0] : memref<400x1xf32, #tpu.memory_space<vmem>>, vector<400x1xf32>
    %get3A_2 = arith.constant 0 : index
    %get3A_3 = arith.constant 0 : index
    %get3A_4 = vector.load %arg1[%get3A_2, %get3A_3] : memref<400x16xf32, #tpu.memory_space<vmem>>, vector<400x16xf32>
    %get3A_5 = arith.constant 0 : index
    %get3A_6 = arith.constant 0 : index
    %get3A_7 = vector.load %arg2[%get3A_5, %get3A_6] : memref<400x16xf32, #tpu.memory_space<vmem>>, vector<400x16xf32>
    %add3A = arith.addf %get3A_4, %get3A_7 : vector<400x16xf32>
    %get3A_8 = arith.constant 0 : index
    %get3A_9 = arith.constant 0 : index
    %get3A_10 = vector.load %arg3[%get3A_8, %get3A_9] : memref<400x16xf32, #tpu.memory_space<vmem>>, vector<400x16xf32>
    %add3A_11 = arith.addf %add3A, %get3A_10 : vector<400x16xf32>
    %mul3A = vector.broadcast %get3A_1 : vector<400x1xf32> to vector<400x16xf32>
    %mul3A_12 = arith.mulf %mul3A, %add3A_11 : vector<400x16xf32>
    %mul3A_13 = arith.mulf %mul3A_12, %mul3A_12 : vector<400x16xf32>
    %reduce_sum3A = arith.constant dense<0.000000e+00> : vector<400xf32>
    %reduce_sum3A_14 = vector.multi_reduction <add>, %mul3A_13, %reduce_sum3A [1] : vector<400x16xf32> to vector<400xf32>
    %broadcast_in_dim3A = vector.shape_cast %reduce_sum3A_14 : vector<400xf32> to vector<400x1xf32>
    %sqrt3A = math.sqrt %broadcast_in_dim3A : vector<400x1xf32>
    %max3A = arith.constant 1.000000e-07 : f32
    %max3A_15 = vector.broadcast %max3A : f32 to vector<400x1xf32>
    %max3A_16 = arith.maximumf %sqrt3A, %max3A_15 : vector<400x1xf32>
    %div3A = vector.broadcast %max3A_16 : vector<400x1xf32> to vector<400x16xf32>
    %div3A_17 = arith.divf %mul3A_12, %div3A : vector<400x16xf32>
    %swap3A = arith.constant 0 : index
    %swap3A_18 = arith.constant 0 : index
    %swap3A_19 = vector.load %arg5[%swap3A, %swap3A_18] : memref<400x16xf32, #tpu.memory_space<vmem>>, vector<400x16xf32>
    tpu.vector_store %arg5[%swap3A, %swap3A_18], %div3A_17 {strides = array<i32>} : memref<400x16xf32, #tpu.memory_space<vmem>>, vector<400x16xf32>,
    return
  }
  func.func @transform_0(%arg0: i32) -> (i32, i32) {
    %c0_i32 = arith.constant 0 : i32
    %c0_i32_0 = arith.constant 0 : i32
    return %arg0, %c0_i32 : i32, i32
  }
  func.func @transform_1(%arg0: i32) -> (i32, i32) {
    %c0_i32 = arith.constant 0 : i32
    %c0_i32_0 = arith.constant 0 : i32
    return %arg0, %c0_i32 : i32, i32
  }
  func.func @transform_2(%arg0: i32) -> (i32, i32) {
    %c0_i32 = arith.constant 0 : i32
    %c0_i32_0 = arith.constant 0 : i32
    return %arg0, %c0_i32 : i32, i32
  }
  func.func @transform_3(%arg0: i32) -> (i32, i32) {
    %c0_i32 = arith.constant 0 : i32
    %c0_i32_0 = arith.constant 0 : i32
    return %arg0, %c0_i32 : i32, i32
  }
  func.func @transform_4(%arg0: i32) -> (i32, i32) {
    %c0_i32 = arith.constant 0 : i32
    %c0_i32_0 = arith.constant 0 : i32
    return %arg0, %c0_i32 : i32, i32
  }
}

</mosaic_0001>

<sc_bundles>
// kernel: kernel.12.cloned.1.call-start
scs
__scs_entry_jumppad:
0x0: {  	(pc) =	sbr.rel $0x88, $3  }
0x1: {  	(tag) =	ssettag $0x0;
	lr =	simm.s32 $0x1  }
0x2: {  	[smem:$0x3F9D] =	sst lr;
	_ =	strace $0xD0000000  }
0x3: {  	_ = 	snop  }
0x4: {  	_ = 	snop  }
0x5: {  	_ = 	snop  }
0x6: {  	_ = 	snop  }
0x7: {  	_ = 	snop  }
__scs_overlays_trampoline_lowered:
0x8: {  	[smem:$0x3FAC] =	sst s0  }
0x9: {  	[smem:$0x3FAD] =	sst s1  }
0xa: {  	[smem:$0x3FAE] =	sst s2  }
0xb: {  	[smem:$0x3FAF] =	sst s3  }
0xc: {  	[smem:$0x3FB0] =	sst s4  }
0xd: {  	[smem:$0x3FB1] =	sst s5  }
0xe: {  	[smem:$0x3FB2] =	sst s6  }
0xf: {  	[smem:$0x3FB3] =	sst s7  }
0x10: {  	[smem:$0x3FB4] =	sst s8  }
0x11: {  	[smem:$0x3FB5] =	sst s9;
	s0 =	simm.s32 @!p0 $0x0  }
0x12: {  	s1 =	sld [smem:$0x3F9B];
	s0 =	simm.s32 @p0 $0x1  }
0x13: {  	[smem:$0x3FB6] =	sst s0;
	s0 =	simm.s32 @!p1 $0x0  }
0x14: {  	s2 =	sld [smem:$0x3F9A];
	s0 =	simm.s32 @p1 $0x1  }
0x15: {  	[smem:$0x3FB7] =	sst s0;
	s0 =	simm.s32 @!p2 $0x0  }
0x16: {  	s3 =	sld [smem:$0x3FDB];
	s0 =	simm.s32 @p2 $0x1  }
0x17: {  	s4 =	simm.s32 $0x1BF5;
	[smem:$0x3FB9] =	sst s0  }
0x18: {  	s0 =	sld [smem:$0x3F9C];
	_ =	swait.ge [sflag:s4], $0x0  }
0x19: {  	s7 =	sld [smem:$0x3F9D]  }
0x1a: {  	s8 =	sadd.s32 $0xFFFFE003, lr  }
0x1b: {  	s9 =	sadd.s32 $0xFFFFFEF7, lr;
	s5 =	simm.s32 $0xFFFFFFFF;
	p2 =	slt.u32 s8, $0xFFFFF086  }
0x1c: {  	p1 =	slt.u32 s9, $0xF7A;
	s5 =	simm.s32 @!p2 $0x0  }
0x1d: {  	s5 =	simm.s32 @p1 $0x1;
	p0 =	seq.s32 s7, s2  }
0x1e: {  	s7 =	smul.u32 @!p0 $0xF7A, s2;
	p2 =	seq.s32 @!p0 s5, $0x0  }
0x1f: {  	s9 =	smul.u32 $0xF7A, s1;
	s8 =	simm.s32 @!p0 $0x1BF5;
	p2 =	por !p2, p0  }
0x20: {  	[sflag:s8] =	ssyncset.s32 @!p0 $0xFFFFF086;
	s6 =	sadd.s32 @!p0 s3, s7;
	s7 =	simm.s32 @!p0 $0x108  }
0x21: {  	s3 =	sadd.s32 s3, s9;
	s6 =	sadd.s32 @!p0 $0x88, s6;
	s7 =	simm.s32 @p2 $0x1082  }
0x22: {  	[simem:s7], [sflag:s8] =	dma.local @!p0 [hbm:s6], $0xF7A  }
0x23: {  	s9 =	sor.u32 $0xD0000000, s2;
	s6 =	simm.s32 $0x108;
	_ =	swait.ge @!p0 [sflag:s8], $0x0  }
0x24: {  	s3 =	sadd.s32 $0x88, s3;
	s6 =	simm.s32 @!p1 $0x1082;
	[sflag:s4] =	ssyncset.s32 $0xFFFFF086  }
0x25: {  	[simem:s6], [sflag:s4] =	dma.local [hbm:s3], $0xF7A  }
0x26: {  	[smem:$0x3F9D] =	sst s1;
	(tag) =	ssettag s2;
	_ =	strace s9  }
0x27: {  	s1 =	sld [smem:$0x3FAD]  }
0x28: {  	s2 =	sld [smem:$0x3FAE]  }
0x29: {  	s4 =	sld [smem:$0x3FB0]  }
0x2a: {  	p0 =	seq.s32 s5, $0x0;
	s5 =	sld [smem:$0x3FB1]  }
0x2b: {  	s6 =	sld [smem:$0x3FB2]  }
0x2c: {  	s7 =	sld [smem:$0x3FB3]  }
0x2d: {  	s3 =	simm.s32 $0x108;
	s8 =	sld [smem:$0x3FB4]  }
0x2e: {  	s3 =	simm.s32 @!p0 $0x1082;
	s9 =	sld [smem:$0x3FB5]  }
0x2f: {  	lr =	sadd.s32 s0, s3;
	s0 =	sld [smem:$0x3FAC]  }
0x30: {  	s3 =	sld [smem:$0x3FAF]  }
0x31: {  	[smem:$0x3FB8] =	sst s10  }
0x32: {  	s10 =	sld [smem:$0x3FB6];
	_ =	sdelay $0x3  }
0x33: {  	p0 =	seq.s32 s10, $0x1;
	s10 =	sld [smem:$0x3FB8];
	_ =	sdelay $0x3  }
0x34: {  	[smem:$0x3FB8] =	sst s10  }
0x35: {  	s10 =	sld [smem:$0x3FB7];
	_ =	sdelay $0x3  }
0x36: {  	p1 =	seq.s32 s10, $0x1;
	s10 =	sld [smem:$0x3FB8];
	_ =	sdelay $0x3  }
0x37: {  	[smem:$0x3FB8] =	sst s10  }
0x38: {  	s10 =	sld [smem:$0x3FB9]  }
0x39: {  	_ = 	snop;
	(pc) =	sbr.ind lr, $3  }
0x3a: {  	_ = 	snop  }
0x3b: {  	_ = 	snop  }
0x3c: {  	p2 =	seq.s32 s10, $0x1;
	s10 =	sld [smem:$0x3FB8]  }
0x3d: {  	_ =	shalt  }
0x3e: {  	_ =	shalt  }
0x3f: {  	_ =	shalt  }
0x40: {  	_ =	shalt  }
0x41: {  	_ =	shalt  }
0x42: {  	_ =	shalt  }
0x43: {  	_ =	shalt  }
0x44: {  	_ =	shalt  }
0x45: {  	_ =	shalt  }
0x46: {  	_ =	shalt  }
0x47: {  	_ =	shalt  }
0x48: {  	_ =	shalt  }
0x49: {  	_ =	shalt  }
0x4a: {  	_ =	shalt  }
0x4b: {  	_ =	shalt  }
0x4c: {  	_ =	shalt  }
0x4d: {  	_ =	shalt  }
0x4e: {  	_ =	shalt  }
0x4f: {  	_ =	shalt  }
0x50: {  	_ =	shalt  }
0x51: {  	_ =	shalt  }
0x52: {  	_ =	shalt  }
0x53: {  	_ =	shalt  }
0x54: {  	_ =	shalt  }
0x55: {  	_ =	shalt  }
0x56: {  	_ =	shalt  }
0x57: {  	_ =	shalt  }
0x58: {  	_ =	shalt  }
0x59: {  	_ =	shalt  }
0x5a: {  	_ =	shalt  }
0x5b: {  	_ =	shalt  }
0x5c: {  	_ =	shalt  }
0x5d: {  	_ =	shalt  }
0x5e: {  	_ =	shalt  }
0x5f: {  	_ =	shalt  }
0x60: {  	_ =	shalt  }
0x61: {  	_ =	shalt  }
0x62: {  	_ =	shalt  }
0x63: {  	_ =	shalt  }
0x64: {  	_ =	shalt  }
0x65: {  	_ =	shalt  }
0x66: {  	_ =	shalt  }
0x67: {  	_ =	shalt  }
0x68: {  	_ =	shalt  }
0x69: {  	_ =	shalt  }
0x6a: {  	_ =	shalt  }
0x6b: {  	_ =	shalt  }
0x6c: {  	_ =	shalt  }
0x6d: {  	_ =	shalt  }
0x6e: {  	_ =	shalt  }
0x6f: {  	_ =	shalt  }
0x70: {  	_ =	shalt  }
0x71: {  	_ =	shalt  }
0x72: {  	_ =	shalt  }
0x73: {  	_ =	shalt  }
0x74: {  	_ =	shalt  }
0x75: {  	_ =	shalt  }
0x76: {  	_ =	shalt  }
0x77: {  	_ =	shalt  }
0x78: {  	_ =	shalt  }
0x79: {  	_ =	shalt  }
0x7a: {  	_ =	shalt  }
0x7b: {  	_ =	shalt  }
0x7c: {  	_ =	shalt  }
0x7d: {  	_ =	shalt  }
0x7e: {  	_ =	shalt  }
0x7f: {  	_ =	shalt  }
0x80: {  	_ =	shalt  }
0x81: {  	_ =	shalt  }
0x82: {  	_ =	shalt  }
0x83: {  	_ =	shalt  }
0x84: {  	_ =	shalt  }
0x85: {  	_ =	shalt  }
0x86: {  	_ =	shalt  }
0x87: {  	_ =	shalt  }
.Lfunc_end0:
.L_simem_size_0:
called_computation.1_lowered:
.L_overlay_start_0:
0x88: {  	s2 =	sld [smem:$0x3FD9]  }
0x89: {  	s3 =	sld [smem:$0x3FFE];
	_ =	sdelay $0x1  }
0x8a: {  	s1 =	srdreg.scid  }
0x8b: {  	s0 =	sand.u32 $0x1, s1  }
0x8c: {  	s16 =	sshll.u32 s0, $0xA;
	s2 =	sadd.s32 s3, s2  }
0x8d: {  	s2 =	sadd.s32 s2, s16  }
0x8e: {  	[smem:$0x3FC4] =	sst s2  }
0x8f: {  	_ = 	snop  }
0x90: {  	(tm) =	ssettm $0x1  }
0x91: {  	s17 =	sld [smem:$0x3FFB];
	_ =	sdelay $0x3  }
0x92: {  	_ =	strace s17  }
0x93: {  	s2 =	sld [smem:$0x3FFC];
	_ =	sdelay $0x3  }
0x94: {  	_ =	strace s2  }
0x95: {  	s2 =	sld [smem:$0x3FFD];
	_ =	sdelay $0x3  }
0x96: {  	_ =	strace s2  }
0x97: {  	_ =	strace $0x8FFFFFFF  }
0x98: {  	s18 =	sld [smem:$0x3FDB];
	_ =	sdelay $0x1  }
0x99: {  	s19 =	simm.s32 $_scs_section_size  }
0x9a: {  	s4 =	simm.s32 $_size__tile_overlayer_lowered;
	s5 =	simm.s32 $_tile_overlayer_lowered  }
0x9b: {  	s22 =	simm.s32 $0x1BFF;
	s21 =	sshll.u32 s5, $0x1;
	s2 =	sadd.s32 s19, s18  }
0x9c: {  	s6 =	simm.s32 $0x0;
	s20 =	sshll.u32 s4, $0x1;
	s4 =	sadd.s32 s21, s2  }
0x9d: {  	[timem:s6], [sflag:s22] =	dma.local [hbm:s4], s20  }
0x9e: {  	_ =	swait.ge [sflag:s22], s20  }
0x9f: {  	s3 =	ssub.s32 $0x0, s20;
	[sflag:s22] =	ssyncset.done $0x0  }
0xa0: {  	[sflag:s22] =	ssyncadd.s32 s3;
	_ =	sdelay $0x1  }
0xa1: {  	s23 =	simm.s32 $0x1B8B  }
0xa2: {  	_ =	swait.ge [sflag:s23], $0x1  }
0xa3: {  	[sflag:s23] =	ssyncset.done $0x0  }
0xa4: {  	s25 =	simm.s32 $0x1B8E;
	s24 =	sld [smem:$0x3FFE];
	[sflag:s23] =	ssyncadd.s32 $0xFFFFFFFF  }
0xa5: {  	s26 =	simm.s32 $execute0_lowered;
	[smem:$0x3FD2] =	sst s25  }
0xa6: {  	s4 =	sshll.u32 s26, $0x1;
	_ =	strace $0x80000049;
	[dreg:$0x1] =	wrdreg $0xFFFFFFFF  }
0xa7: {  	s28 =	simm.s32 $_size_execute0_lowered;
	s2 =	sadd.s32 s2, s4;
	[dreg:$0x0] =	wrdreg $0x0  }
0xa8: {  	s4 =	sshll.u32 s28, $0x1;
	[dreg:$0x2] =	wrdreg s2  }
0xa9: {  	[dreg:$0x3] =	wrdreg s4  }
0xaa: {  	[dreg:$0x4] =	wrdreg $0xC0  }
0xab: {  	_ =	task [dreg:s6], $0x5FFFF  }
0xac: {  	[dreg:$0x1] =	wrdreg $0xFFFFFFFF  }
0xad: {  	[dreg:$0x0] =	wrdreg $0x60  }
0xae: {  	[dreg:$0x2] =	wrdreg s24  }
0xaf: {  	[dreg:$0x3] =	wrdreg $0x8E800  }
0xb0: {  	[dreg:$0x4] =	wrdreg $0x9  }
0xb1: {  	_ =	task.clear_ibuf [dreg:s6], $0x5FFFF;
	_ =	strace $0x90000049  }
0xb2: {  	s29 =	simm.s32 $0x9;
	_ =	strace $0x8000004B  }
0xb3: {  	_ =	swait.ge [sflag:s29], $0x1  }
0xb4: {  	[sflag:s29] =	ssyncadd.s32 $0xFFFFFFFF  }
0xb5: {  	_ =	strace $0x9000004B  }
0xb6: {  	_ =	sfence  }
0xb7: {  	s30 =	sld [smem:$0x0];
	_ =	sdelay $0x2  }
0xb8: {  	s31 =	sshll.u32 s1, $0xD;
	s1 =	sshrl.u32 s1, $0x2  }
0xb9: {  	s3 =	sand.u32 $0x4000, s31;
	s1 =	sadd.s32 s1, s30  }
0xba: {  	s0 =	sor.u32 s3, s0;
	s1 =	sshll.u32 s1, $0x11  }
0xbb: {  	s0 =	sor.u32 s1, s0  }
0xbc: {  	s0 =	sadd.s32 $0x8F2B, s0  }
0xbd: {  	[sflag:s0] =	ssyncadd.remote.s32 $0x1  }
0xbe: {  	_ =	sfence.sel $0xFFFF  }
0xbf: {  	[dreg:$0x0] =	wrdreg $0xFFFFFFFF;
	(pc) =	sbr.abs _section_cstart, $3  }
0xc0: {  	[dreg:$0x1] =	wrdreg $0xFFFFFFFF  }
0xc1: {  	_ =	task.clear_ibuf [dreg:s6], $0x2FFFF;
	_ =	strace $0x9FFFFFFF  }
0xc2: {  	(tm) =	ssettm $0x7FFFFFFF  }
0xc3: {  	_ =	shalt  }
tec
execute0_lowered:
.L_overlay_start_1:
0x0: {  	(tag) =	ssettag $0x1  }
0x1: {  	s0 =	srdreg.scid  }
0x2: {  	s1 =	rddreg [dreg:$0x0];
	s14 =	stileid.u32  }
0x3: {  	s2 =	rddreg [dreg:$0x1];
	s17 =	simm.s32 $0x7D;
	s18 =	simm.s32 $0x5000  }
0x4: {  	s20 =	simm.s32 $0x5FA0;
	s22 =	simm.s32 $0x6F40;
	s28 =	simm.s32 $0x3  }
0x5: {  	s29 =	simm.s32 $0x4;
	s30 =	simm.s32 $0x4E00;
	s31 =	simm.s32 $0x4E80  }
0x6: {  	s16 =	simm.s32 $0x0;
	s0 =	sand.u32 $0x1, s0;
	s8 =	smul.u32 $0x4E00, s14  }
0x7: {  	s11 =	sadd.s32 $0x57C00, s1;
	s25 =	sshll.u32 s14, $0x6;
	s15 =	sadd.s32 $0x4E000, s2  }
0x8: {  	p0 =	sne.s32 s14, $0xF;
	s3 =	sshll.u32 s0, $0x4;
	s6 =	ssub.s32 $0x2, s0  }
0x9: {  	s0 =	smul.u32 $0x4E200, s0;
	s15 =	sshrl.u32 @!p0 s15, $0x3;
	s4 =	sor.u32 s14, s3  }
0xa: {  	s3 =	simm.s32 $0x0;
	s24 =	sshrl.u32 s8, $0x3;
	s7 =	sshrl.u32 s6, $0x1  }
0xb: {  	s13 =	sadd.s32 s8, s2;
	s14 =	simm.s32 $0x5;
	s5 =	smul.u32 $0x500, s4  }
0xc: {  	[smem:$0x7FF] =	sst s3;
	s4 =	sadd.s32 $0x2000, s1;
	s12 =	ssub.s32 s6, s7  }
0xd: {  	s6 =	sor.u32 $0x1C05, s25;
	s7 =	sadd.s32 $0x57A00, s1;
	s26 =	sadd.s32 s8, s0  }
0xe: {  	s0 =	sshrl.u32 s0, $0x3;
	s13 =	sshrl.u32 s13, $0x3;
	s25 =	simm.s32 $0x1  }
0xf: {  	_ =	strace $0x8000004A;
	s0 =	sadd.s32 s11, s0;
	s12 =	smax.u32 s12, $0x1  }
0x10: {  	s9 =	sadd.s32 s5, s1;
	s5 =	sadd.s32 s24, s1;
	s1 =	sshrl.u32 s26, $0x3  }
0x11: {  	s24 =	simm.s32 $0x7EE0;
	s26 =	simm.s32 $0x2;
	s5 =	sadd.s32 $0x4DE00, s5  }
0x12: {  	s8 =	sadd.s32 $0x1CC00, s9;
	s9 =	sadd.s32 $0x12C00, s9;
	s10 =	sadd.s32 s11, s1  }
0x13: {  	s11 =	sadd.s32 $0x9C00, s0;
	s1 =	simm.s32 $0x4F00;
	s0 =	simm.s32 $0x4F80  }
.LBB2_1:
0x14: {  	[spmem:s13], [sflag:s6] =	dma.local [hbm:s5], $0x9C0  }
0x15: {  	_ =	swait.ge [sflag:s14], $0x9C0  }
0x16: {  	[sflag:s14] =	ssyncset.done $0x0  }
0x17: {  	s19 =	simm.s32 @!p0 $0x5;
	[sflag:s14] =	ssyncadd.s32 $0xFFFFF640  }
0x18: {  	[spmem:s15], [sflag:s6] =	dma.local @!p0 [hbm:s7], $0x40  }
0x19: {  	_ =	swait.ge @!p0 [sflag:s19], $0x40  }
0x1a: {  	[sflag:s19] =	ssyncset.done @!p0 $0x0  }
0x1b: {  	[sflag:s19] =	ssyncadd.s32 @!p0 $0xFFFFFFC0  }
0x1c: {  	[tilespmem:s3], [sflag:$0x5] =	stream.linear.gather [hbm4b:s8+s3], $0x2800, $0x38;
	[tilespmem:$0xDCA0] =	vst v63  }
0x1d: {  	_ =	swait.ge [sflag:s14], $0x2800  }
0x1e: {  	[sflag:s14] =	ssyncset.done $0x0  }
0x1f: {  	s23 =	simm.s32 $0x2800;
	[sflag:s14] =	ssyncadd.s32 $0xFFFFD800  }
0x20: {  	[tilespmem:s23], [sflag:$0x5] =	stream.linear.gather [hbm4b:s9+s3], $0x2800, $0x38;
	[tilespmem:$0xDCA0] =	vst v63  }
0x21: {  	_ =	swait.ge [sflag:s14], $0x2800  }
0x22: {  	[sflag:s14] =	ssyncset.done $0x0  }
0x23: {  	[sflag:s14] =	ssyncadd.s32 $0xFFFFD800  }
0x24: {  	[bflag:$0x0] =	sbarrier.arrive $0xFFFF  }
0x25: {  	[tilespmem:s18], [sflag:$0x1] =	stream.indirect.gather [hbm4b:s4+s17], $0x20, s3, s17, $0xb8;
	[tilespmem:$0xDCA0] =	vst v63  }
0x26: {  	s21 =	simm.s32 $0x80  }
0x27: {  	[tilespmem:s20], [sflag:$0x2] =	stream.indirect.gather [hbm4b:s4+s17], $0x20, s21, s17, $0xb8;
	[tilespmem:$0xDCA0] =	vst v63  }
0x28: {  	s23 =	simm.s32 $0x100  }
0x29: {  	[tilespmem:s22], [sflag:$0x3] =	stream.indirect.gather [hbm4b:s4+s17], $0x20, s23, s17, $0xb8;
	[tilespmem:$0xDCA0] =	vst v63  }
0x2a: {  	s21 =	simm.s32 $0x180  }
0x2b: {  	[tilespmem:s24], [sflag:$0x4] =	stream.indirect.gather [hbm4b:s4+s17], $0x20, s21, s17, $0xb8;
	[tilespmem:$0xDCA0] =	vst v63  }
0x2c: {  	_ =	swait.ge [sflag:s25], $0xFA0  }
0x2d: {  	[sflag:s25] =	ssyncset.done $0x0  }
0x2e: {  	s23 =	simm.s32 $0x2800;
	[sflag:s25] =	ssyncadd.s32 $0xFFFFF060  }
0x2f: {  	[spmem:s2] =	stream.indirect.scatter.add.f32 [tilespmem:s18], [sflag:$0x5], $0x20, s23, s17, $0xb8;
	[tilespmem:$0xDCA0] =	vst v63  }
0x30: {  	_ =	swait.ge [sflag:s14], $0xFA0  }
0x31: {  	[sflag:s14] =	ssyncset.done $0x0  }
0x32: {  	s21 =	simm.s32 $0x200;
	[sflag:s14] =	ssyncadd.s32 $0xFFFFF060  }
0x33: {  	[tilespmem:s18], [sflag:$0x1] =	stream.indirect.gather [hbm4b:s4+s17], $0x20, s21, s17, $0xb8;
	[tilespmem:$0xDCA0] =	vst v63  }
0x34: {  	_ =	swait.ge [sflag:s26], $0xFA0  }
0x35: {  	[sflag:s26] =	ssyncset.done $0x0  }
0x36: {  	s23 =	simm.s32 $0x2880;
	[sflag:s26] =	ssyncadd.s32 $0xFFFFF060  }
0x37: {  	[spmem:s2] =	stream.indirect.scatter.add.f32 [tilespmem:s20], [sflag:$0x5], $0x20, s23, s17, $0xb8;
	[tilespmem:$0xDCA0] =	vst v63  }
0x38: {  	_ =	swait.ge [sflag:s14], $0xFA0  }
0x39: {  	[sflag:s14] =	ssyncset.done $0x0  }
0x3a: {  	s21 =	simm.s32 $0x280;
	[sflag:s14] =	ssyncadd.s32 $0xFFFFF060  }
0x3b: {  	[tilespmem:s20], [sflag:$0x2] =	stream.indirect.gather [hbm4b:s4+s17], $0x20, s21, s17, $0xb8;
	[tilespmem:$0xDCA0] =	vst v63  }
0x3c: {  	_ =	swait.ge [sflag:s28], $0xFA0  }
0x3d: {  	[sflag:s28] =	ssyncset.done $0x0  }
0x3e: {  	s23 =	simm.s32 $0x2900;
	[sflag:s28] =	ssyncadd.s32 $0xFFFFF060  }
0x3f: {  	[spmem:s2] =	stream.indirect.scatter.add.f32 [tilespmem:s22], [sflag:$0x5], $0x20, s23, s17, $0xb8;
	[tilespmem:$0xDCA0] =	vst v63  }
0x40: {  	_ =	swait.ge [sflag:s14], $0xFA0  }
0x41: {  	[sflag:s14] =	ssyncset.done $0x0  }
0x42: {  	s21 =	simm.s32 $0x300;
	[sflag:s14] =	ssyncadd.s32 $0xFFFFF060  }
0x43: {  	[tilespmem:s22], [sflag:$0x3] =	stream.indirect.gather [hbm4b:s4+s17], $0x20, s21, s17, $0xb8;
	[tilespmem:$0xDCA0] =	vst v63  }
0x44: {  	_ =	swait.ge [sflag:s29], $0xFA0  }
0x45: {  	[sflag:s29] =	ssyncset.done $0x0  }
0x46: {  	s23 =	simm.s32 $0x2980;
	[sflag:s29] =	ssyncadd.s32 $0xFFFFF060  }
0x47: {  	[spmem:s2] =	stream.indirect.scatter.add.f32 [tilespmem:s24], [sflag:$0x5], $0x20, s23, s17, $0xb8;
	[tilespmem:$0xDCA0] =	vst v63  }
0x48: {  	_ =	swait.ge [sflag:s14], $0xFA0  }
0x49: {  	[sflag:s14] =	ssyncset.done $0x0  }
0x4a: {  	s19 =	simm.s32 $0x800;
	s21 =	simm.s32 $0x380;
	[sflag:s14] =	ssyncadd.s32 $0xFFFFF060  }
.LBB2_2:
0x4b: {  	[tilespmem:s24], [sflag:$0x4] =	stream.indirect.gather [hbm4b:s4+s17], $0x20, s21, s17, $0xb8;
	[tilespmem:$0xDCA0] =	vst v63  }
0x4c: {  	s21 =	smov.u32 s19  }
0x4d: {  	p1 =	sne.s32 s19, $0x9000;
	s19 =	sadd.s32 $0x800, s19;
	_ =	swait.ge [sflag:s25], $0xFA0  }
0x4e: {  	s21 =	sshra.s32 s21, $0x2;
	[sflag:s25] =	ssyncset.done $0x0  }
0x4f: {  	s23 =	sadd.s32 $0x2800, s21;
	[sflag:s25] =	ssyncadd.s32 $0xFFFFF060  }
0x50: {  	[spmem:s2] =	stream.indirect.scatter.add.f32 [tilespmem:s18], [sflag:$0x5], $0x20, s23, s17, $0xb8;
	[tilespmem:$0xDCA0] =	vst v63  }
0x51: {  	_ =	swait.ge [sflag:s14], $0xFA0  }
0x52: {  	[sflag:s14] =	ssyncset.done $0x0  }
0x53: {  	s23 =	sadd.s32 $0x200, s21;
	[sflag:s14] =	ssyncadd.s32 $0xFFFFF060  }
0x54: {  	[tilespmem:s18], [sflag:$0x1] =	stream.indirect.gather [hbm4b:s4+s17], $0x20, s23, s17, $0xb8;
	[tilespmem:$0xDCA0] =	vst v63  }
0x55: {  	_ =	swait.ge [sflag:s26], $0xFA0  }
0x56: {  	[sflag:s26] =	ssyncset.done $0x0  }
0x57: {  	s23 =	sadd.s32 $0x2880, s21;
	[sflag:s26] =	ssyncadd.s32 $0xFFFFF060  }
0x58: {  	[spmem:s2] =	stream.indirect.scatter.add.f32 [tilespmem:s20], [sflag:$0x5], $0x20, s23, s17, $0xb8;
	[tilespmem:$0xDCA0] =	vst v63  }
0x59: {  	_ =	swait.ge [sflag:s14], $0xFA0  }
0x5a: {  	[sflag:s14] =	ssyncset.done $0x0  }
0x5b: {  	s23 =	sadd.s32 $0x280, s21;
	[sflag:s14] =	ssyncadd.s32 $0xFFFFF060  }
0x5c: {  	[tilespmem:s20], [sflag:$0x2] =	stream.indirect.gather [hbm4b:s4+s17], $0x20, s23, s17, $0xb8;
	[tilespmem:$0xDCA0] =	vst v63  }
0x5d: {  	_ =	swait.ge [sflag:s28], $0xFA0  }
0x5e: {  	[sflag:s28] =	ssyncset.done $0x0  }
0x5f: {  	s23 =	sadd.s32 $0x2900, s21;
	[sflag:s28] =	ssyncadd.s32 $0xFFFFF060  }
0x60: {  	[spmem:s2] =	stream.indirect.scatter.add.f32 [tilespmem:s22], [sflag:$0x5], $0x20, s23, s17, $0xb8;
	[tilespmem:$0xDCA0] =	vst v63  }
0x61: {  	_ =	swait.ge [sflag:s14], $0xFA0  }
0x62: {  	[sflag:s14] =	ssyncset.done $0x0  }
0x63: {  	s23 =	sadd.s32 $0x300, s21;
	[sflag:s14] =	ssyncadd.s32 $0xFFFFF060  }
0x64: {  	[tilespmem:s22], [sflag:$0x3] =	stream.indirect.gather [hbm4b:s4+s17], $0x20, s23, s17, $0xb8;
	[tilespmem:$0xDCA0] =	vst v63  }
0x65: {  	_ =	swait.ge [sflag:s29], $0xFA0  }
0x66: {  	[sflag:s29] =	ssyncset.done $0x0  }
.Ltmp0:
0x67: {  	s23 =	sadd.s32 $0x2980, s21;
	[sflag:s29] =	ssyncadd.s32 $0xFFFFF060;
	(pc) =	sbr.rel @p1 .LBB2_2-.Ltmp0, $4  }
0x68: {  	[spmem:s2] =	stream.indirect.scatter.add.f32 [tilespmem:s24], [sflag:$0x5], $0x20, s23, s17, $0xb8;
	[tilespmem:$0xDCA0] =	vst v63  }
0x69: {  	_ =	swait.ge [sflag:s14], $0xFA0  }
0x6a: {  	[sflag:s14] =	ssyncset.done $0x0  }
0x6b: {  	s21 =	sadd.s32 $0x380, s21;
	[sflag:s14] =	ssyncadd.s32 $0xFFFFF060  }
0x6c: {  	[tilespmem:s24], [sflag:$0x4] =	stream.indirect.gather [hbm4b:s4+s17], $0x20, s21, s17, $0xb8;
	[tilespmem:$0xDCA0] =	vst v63  }
0x6d: {  	_ =	swait.ge [sflag:s25], $0xFA0  }
0x6e: {  	[sflag:s25] =	ssyncset.done $0x0  }
0x6f: {  	[sflag:s25] =	ssyncadd.s32 $0xFFFFF060  }
0x70: {  	[spmem:s2] =	stream.indirect.scatter.add.f32 [tilespmem:s18], [sflag:$0x5], $0x20, s30, s17, $0xb8;
	[tilespmem:$0xDCA0] =	vst v63  }
0x71: {  	_ =	swait.ge [sflag:s14], $0xFA0  }
0x72: {  	[sflag:s14] =	ssyncset.done $0x0  }
0x73: {  	[sflag:s14] =	ssyncadd.s32 $0xFFFFF060  }
0x74: {  	_ =	swait.ge [sflag:s26], $0xFA0  }
0x75: {  	[sflag:s26] =	ssyncset.done $0x0  }
0x76: {  	[sflag:s26] =	ssyncadd.s32 $0xFFFFF060  }
0x77: {  	[spmem:s2] =	stream.indirect.scatter.add.f32 [tilespmem:s20], [sflag:$0x5], $0x20, s31, s17, $0xb8;
	[tilespmem:$0xDCA0] =	vst v63  }
0x78: {  	_ =	swait.ge [sflag:s14], $0xFA0  }
0x79: {  	[sflag:s14] =	ssyncset.done $0x0  }
0x7a: {  	[sflag:s14] =	ssyncadd.s32 $0xFFFFF060  }
0x7b: {  	_ =	swait.ge [sflag:s28], $0xFA0  }
0x7c: {  	[sflag:s28] =	ssyncset.done $0x0  }
0x7d: {  	[sflag:s28] =	ssyncadd.s32 $0xFFFFF060  }
0x7e: {  	[spmem:s2] =	stream.indirect.scatter.add.f32 [tilespmem:s22], [sflag:$0x5], $0x20, s1, s17, $0xb8;
	[tilespmem:$0xDCA0] =	vst v63  }
0x7f: {  	_ =	swait.ge [sflag:s14], $0xFA0  }
0x80: {  	[sflag:s14] =	ssyncset.done $0x0  }
0x81: {  	[sflag:s14] =	ssyncadd.s32 $0xFFFFF060  }
0x82: {  	_ =	swait.ge [sflag:s29], $0xFA0  }
0x83: {  	[sflag:s29] =	ssyncset.done $0x0  }
0x84: {  	[sflag:s29] =	ssyncadd.s32 $0xFFFFF060  }
0x85: {  	[spmem:s2] =	stream.indirect.scatter.add.f32 [tilespmem:s24], [sflag:$0x5], $0x20, s0, s17, $0xb8;
	[tilespmem:$0xDCA0] =	vst v63  }
0x86: {  	_ =	swait.ge [sflag:s14], $0xFA0  }
0x87: {  	[sflag:s14] =	ssyncset.done $0x0  }
0x88: {  	[sflag:s14] =	ssyncadd.s32 $0xFFFFF060  }
0x89: {  	[bflag:$0x0] =	sbarrier.arrive $0xFFFF  }
0x8a: {  	[hbm:s10], [sflag:s6] =	dma.local [spmem:s13], $0x9C0  }
0x8b: {  	s16 =	sadd.s32 $0x1, s16;
	_ =	swait.ge [sflag:s14], $0x9C0  }
0x8c: {  	p1 =	sne.s32 s16, s12;
	[sflag:s14] =	ssyncset.done $0x0  }
.Ltmp1:
0x8d: {  	s19 =	simm.s32 @!p0 $0x5;
	[sflag:s14] =	ssyncadd.s32 $0xFFFFF640;
	(pc) =	sbr.rel @p1 .LBB2_1-.Ltmp1, $4  }
0x8e: {  	[hbm:s11], [sflag:s6] =	dma.local @!p0 [spmem:s15], $0x40  }
0x8f: {  	_ =	swait.ge @!p0 [sflag:s19], $0x40  }
0x90: {  	[sflag:s19] =	ssyncset.done @!p0 $0x0  }
0x91: {  	[sflag:s19] =	ssyncadd.s32 @!p0 $0xFFFFFFC0  }
0x92: {  	_ =	sfence.sel $0x180000  }
0x93: {  	[bflag:$0x0] =	sbarrier.arrive $0xFFFF  }
0x94: {  	_ =	strace $0x9000004A  }
0x95: {  	s0 =	stileid.u32;
	[bflag:$0x2] =	sbarrier.arrive $0xFFFF  }
0x96: {  	p0 =	sne.s32 s0, $0x0;
	s0 =	rddreg [dreg:$0x2]  }
0x97: {  	s0 =	sadd.s32 @!p0 $0x100000, s0  }
0x98: {  	[sflag:s0] =	ssyncadd.tile.s32 @!p0 $0x1;
	_ =	shalt  }
.Lfunc_end2:
_tile_overlayer_lowered:
.L_overlay_start_2:
0x99: {  	(tag) =	ssettag $0x2  }
0x9a: {  	s0 =	rddreg [dreg:$0x0];
	s2 =	stileid.u32  }
0x9b: {  	s1 =	rddreg [dreg:$0x1];
	p0 =	sne.s32 s2, $0x0  }
0x9c: {  	s3 =	rddreg [dreg:$0x2];
	[bflag:$0x3] =	sbarrier.arrive $0xFFFF;
	s2 =	simm.s32 @!p0 $0x1C05  }
0x9d: {  	[timem:s3], [sflag:s2] =	dma.local @!p0 [hbm:s0], s1  }
0x9e: {  	s0 =	simm.s32 @!p0 $0x5  }
0x9f: {  	_ =	swait.ge @!p0 [sflag:s0], s1  }
0xa0: {  	s1 =	ssub.s32 @!p0 $0x0, s1;
	[sflag:s0] =	ssyncset.done @!p0 $0x0  }
0xa1: {  	[sflag:s0] =	ssyncadd.s32 @!p0 s1  }
0xa2: {  	[bflag:$0x3] =	sbarrier.arrive $0xFFFF  }
0xa3: {  	_ =	shalt  }

// kernel: kernel.15.cloned.1.call-start
scs
__scs_entry_jumppad:
0x0: {  	(pc) =	sbr.rel $0x88, $3  }
0x1: {  	(tag) =	ssettag $0x0;
	lr =	simm.s32 $0x1  }
0x2: {  	[smem:$0x3F9D] =	sst lr;
	_ =	strace $0xD0000000  }
0x3: {  	_ = 	snop  }
0x4: {  	_ = 	snop  }
0x5: {  	_ = 	snop  }
0x6: {  	_ = 	snop  }
0x7: {  	_ = 	snop  }
__scs_overlays_trampoline_lowered:
0x8: {  	[smem:$0x3FAC] =	sst s0  }
0x9: {  	[smem:$0x3FAD] =	sst s1  }
0xa: {  	[smem:$0x3FAE] =	sst s2  }
0xb: {  	[smem:$0x3FAF] =	sst s3  }
0xc: {  	[smem:$0x3FB0] =	sst s4  }
0xd: {  	[smem:$0x3FB1] =	sst s5  }
0xe: {  	[smem:$0x3FB2] =	sst s6  }
0xf: {  	[smem:$0x3FB3] =	sst s7  }
0x10: {  	[smem:$0x3FB4] =	sst s8  }
0x11: {  	[smem:$0x3FB5] =	sst s9;
	s0 =	simm.s32 @!p0 $0x0  }
0x12: {  	s1 =	sld [smem:$0x3F9B];
	s0 =	simm.s32 @p0 $0x1  }
0x13: {  	[smem:$0x3FB6] =	sst s0;
	s0 =	simm.s32 @!p1 $0x0  }
0x14: {  	s2 =	sld [smem:$0x3F9A];
	s0 =	simm.s32 @p1 $0x1  }
0x15: {  	[smem:$0x3FB7] =	sst s0;
	s0 =	simm.s32 @!p2 $0x0  }
0x16: {  	s3 =	sld [smem:$0x3FDB];
	s0 =	simm.s32 @p2 $0x1  }
0x17: {  	s4 =	simm.s32 $0x1BF5;
	[smem:$0x3FB9] =	sst s0  }
0x18: {  	s0 =	sld [smem:$0x3F9C];
	_ =	swait.ge [sflag:s4], $0x0  }
0x19: {  	s7 =	sld [smem:$0x3F9D]  }
0x1a: {  	s8 =	sadd.s32 $0xFFFFE003, lr  }
0x1b: {  	s9 =	sadd.s32 $0xFFFFFEF7, lr;
	s5 =	simm.s32 $0xFFFFFFFF;
	p2 =	slt.u32 s8, $0xFFFFF086  }
0x1c: {  	p1 =	slt.u32 s9, $0xF7A;
	s5 =	simm.s32 @!p2 $0x0  }
0x1d: {  	s5 =	simm.s32 @p1 $0x1;
	p0 =	seq.s32 s7, s2  }
0x1e: {  	s7 =	smul.u32 @!p0 $0xF7A, s2;
	p2 =	seq.s32 @!p0 s5, $0x0  }
0x1f: {  	s9 =	smul.u32 $0xF7A, s1;
	s8 =	simm.s32 @!p0 $0x1BF5;
	p2 =	por !p2, p0  }
0x20: {  	[sflag:s8] =	ssyncset.s32 @!p0 $0xFFFFF086;
	s6 =	sadd.s32 @!p0 s3, s7;
	s7 =	simm.s32 @!p0 $0x108  }
0x21: {  	s3 =	sadd.s32 s3, s9;
	s6 =	sadd.s32 @!p0 $0x88, s6;
	s7 =	simm.s32 @p2 $0x1082  }
0x22: {  	[simem:s7], [sflag:s8] =	dma.local @!p0 [hbm:s6], $0xF7A  }
0x23: {  	s9 =	sor.u32 $0xD0000000, s2;
	s6 =	simm.s32 $0x108;
	_ =	swait.ge @!p0 [sflag:s8], $0x0  }
0x24: {  	s3 =	sadd.s32 $0x88, s3;
	s6 =	simm.s32 @!p1 $0x1082;
	[sflag:s4] =	ssyncset.s32 $0xFFFFF086  }
0x25: {  	[simem:s6], [sflag:s4] =	dma.local [hbm:s3], $0xF7A  }
0x26: {  	[smem:$0x3F9D] =	sst s1;
	(tag) =	ssettag s2;
	_ =	strace s9  }
0x27: {  	s1 =	sld [smem:$0x3FAD]  }
0x28: {  	s2 =	sld [smem:$0x3FAE]  }
0x29: {  	s4 =	sld [smem:$0x3FB0]  }
0x2a: {  	p0 =	seq.s32 s5, $0x0;
	s5 =	sld [smem:$0x3FB1]  }
0x2b: {  	s6 =	sld [smem:$0x3FB2]  }
0x2c: {  	s7 =	sld [smem:$0x3FB3]  }
0x2d: {  	s3 =	simm.s32 $0x108;
	s8 =	sld [smem:$0x3FB4]  }
0x2e: {  	s3 =	simm.s32 @!p0 $0x1082;
	s9 =	sld [smem:$0x3FB5]  }
0x2f: {  	lr =	sadd.s32 s0, s3;
	s0 =	sld [smem:$0x3FAC]  }
0x30: {  	s3 =	sld [smem:$0x3FAF]  }
0x31: {  	[smem:$0x3FB8] =	sst s10  }
0x32: {  	s10 =	sld [smem:$0x3FB6];
	_ =	sdelay $0x3  }
0x33: {  	p0 =	seq.s32 s10, $0x1;
	s10 =	sld [smem:$0x3FB8];
	_ =	sdelay $0x3  }
0x34: {  	[smem:$0x3FB8] =	sst s10  }
0x35: {  	s10 =	sld [smem:$0x3FB7];
	_ =	sdelay $0x3  }
0x36: {  	p1 =	seq.s32 s10, $0x1;
	s10 =	sld [smem:$0x3FB8];
	_ =	sdelay $0x3  }
0x37: {  	[smem:$0x3FB8] =	sst s10  }
0x38: {  	s10 =	sld [smem:$0x3FB9]  }
0x39: {  	_ = 	snop;
	(pc) =	sbr.ind lr, $3  }
0x3a: {  	_ = 	snop  }
0x3b: {  	_ = 	snop  }
0x3c: {  	p2 =	seq.s32 s10, $0x1;
	s10 =	sld [smem:$0x3FB8]  }
0x3d: {  	_ =	shalt  }
0x3e: {  	_ =	shalt  }
0x3f: {  	_ =	shalt  }
0x40: {  	_ =	shalt  }
0x41: {  	_ =	shalt  }
0x42: {  	_ =	shalt  }
0x43: {  	_ =	shalt  }
0x44: {  	_ =	shalt  }
0x45: {  	_ =	shalt  }
0x46: {  	_ =	shalt  }
0x47: {  	_ =	shalt  }
0x48: {  	_ =	shalt  }
0x49: {  	_ =	shalt  }
0x4a: {  	_ =	shalt  }
0x4b: {  	_ =	shalt  }
0x4c: {  	_ =	shalt  }
0x4d: {  	_ =	shalt  }
0x4e: {  	_ =	shalt  }
0x4f: {  	_ =	shalt  }
0x50: {  	_ =	shalt  }
0x51: {  	_ =	shalt  }
0x52: {  	_ =	shalt  }
0x53: {  	_ =	shalt  }
0x54: {  	_ =	shalt  }
0x55: {  	_ =	shalt  }
0x56: {  	_ =	shalt  }
0x57: {  	_ =	shalt  }
0x58: {  	_ =	shalt  }
0x59: {  	_ =	shalt  }
0x5a: {  	_ =	shalt  }
0x5b: {  	_ =	shalt  }
0x5c: {  	_ =	shalt  }
0x5d: {  	_ =	shalt  }
0x5e: {  	_ =	shalt  }
0x5f: {  	_ =	shalt  }
0x60: {  	_ =	shalt  }
0x61: {  	_ =	shalt  }
0x62: {  	_ =	shalt  }
0x63: {  	_ =	shalt  }
0x64: {  	_ =	shalt  }
0x65: {  	_ =	shalt  }
0x66: {  	_ =	shalt  }
0x67: {  	_ =	shalt  }
0x68: {  	_ =	shalt  }
0x69: {  	_ =	shalt  }
0x6a: {  	_ =	shalt  }
0x6b: {  	_ =	shalt  }
0x6c: {  	_ =	shalt  }
0x6d: {  	_ =	shalt  }
0x6e: {  	_ =	shalt  }
0x6f: {  	_ =	shalt  }
0x70: {  	_ =	shalt  }
0x71: {  	_ =	shalt  }
0x72: {  	_ =	shalt  }
0x73: {  	_ =	shalt  }
0x74: {  	_ =	shalt  }
0x75: {  	_ =	shalt  }
0x76: {  	_ =	shalt  }
0x77: {  	_ =	shalt  }
0x78: {  	_ =	shalt  }
0x79: {  	_ =	shalt  }
0x7a: {  	_ =	shalt  }
0x7b: {  	_ =	shalt  }
0x7c: {  	_ =	shalt  }
0x7d: {  	_ =	shalt  }
0x7e: {  	_ =	shalt  }
0x7f: {  	_ =	shalt  }
0x80: {  	_ =	shalt  }
0x81: {  	_ =	shalt  }
0x82: {  	_ =	shalt  }
0x83: {  	_ =	shalt  }
0x84: {  	_ =	shalt  }
0x85: {  	_ =	shalt  }
0x86: {  	_ =	shalt  }
0x87: {  	_ =	shalt  }
.Lfunc_end0:
.L_simem_size_0:
called_computation.2_lowered:
.L_overlay_start_0:
0x88: {  	s2 =	sld [smem:$0x3FD9]  }
0x89: {  	s3 =	sld [smem:$0x3FFE];
	_ =	sdelay $0x1  }
0x8a: {  	s1 =	srdreg.scid  }
0x8b: {  	s0 =	sand.u32 $0x1, s1  }
0x8c: {  	s17 =	sshll.u32 s0, $0xA;
	s2 =	sadd.s32 s3, s2  }
0x8d: {  	s2 =	sadd.s32 s2, s17  }
0x8e: {  	[smem:$0x3FC4] =	sst s2  }
0x8f: {  	_ = 	snop  }
0x90: {  	s2 =	sld [smem:$0x3FD0];
	(tm) =	ssettm $0x1  }
0x91: {  	s18 =	sld [smem:$0x3FFB];
	_ =	sdelay $0x3  }
0x92: {  	_ =	strace s18  }
0x93: {  	s3 =	sld [smem:$0x3FFC];
	_ =	sdelay $0x3  }
0x94: {  	_ =	strace s3  }
0x95: {  	s3 =	sld [smem:$0x3FFD];
	_ =	sdelay $0x3  }
0x96: {  	_ =	strace s3  }
0x97: {  	_ =	strace $0x8FFFFFFF  }
0x98: {  	s19 =	sld [smem:$0x3FDB];
	_ =	sdelay $0x1  }
0x99: {  	s4 =	simm.s32 $_scs_section_size  }
0x9a: {  	s5 =	simm.s32 $_size__tile_overlayer_lowered;
	s6 =	simm.s32 $_tile_overlayer_lowered  }
0x9b: {  	s22 =	simm.s32 $0x1BFF;
	s21 =	sshll.u32 s6, $0x1;
	s3 =	sadd.s32 s4, s19  }
0x9c: {  	s7 =	simm.s32 $0x0;
	s20 =	sshll.u32 s5, $0x1;
	s5 =	sadd.s32 s21, s3  }
0x9d: {  	[timem:s7], [sflag:s22] =	dma.local [hbm:s5], s20  }
0x9e: {  	_ =	swait.ge [sflag:s22], s20  }
0x9f: {  	s4 =	ssub.s32 $0x0, s20;
	[sflag:s22] =	ssyncset.done $0x0  }
0xa0: {  	[sflag:s22] =	ssyncadd.s32 s4;
	_ =	sdelay $0x1  }
0xa1: {  	s23 =	simm.s32 $0x1B8B  }
0xa2: {  	_ =	swait.ge [sflag:s23], $0x1  }
0xa3: {  	[sflag:s23] =	ssyncset.done $0x0  }
0xa4: {  	s25 =	simm.s32 $0x1B8E;
	s24 =	sld [smem:$0x3FFE];
	[sflag:s23] =	ssyncadd.s32 $0xFFFFFFFF  }
0xa5: {  	s26 =	simm.s32 $execute0_lowered;
	[smem:$0x3FD2] =	sst s25  }
0xa6: {  	s5 =	sshll.u32 s26, $0x1;
	_ =	strace $0x8000004C;
	[dreg:$0x1] =	wrdreg $0xFFFFFFFF  }
0xa7: {  	s28 =	simm.s32 $_size_execute0_lowered;
	s3 =	sadd.s32 s3, s5;
	[dreg:$0x0] =	wrdreg $0x0  }
0xa8: {  	s5 =	sshll.u32 s28, $0x1;
	[dreg:$0x2] =	wrdreg s3  }
0xa9: {  	[dreg:$0x3] =	wrdreg s5  }
0xaa: {  	[dreg:$0x4] =	wrdreg $0xC0  }
0xab: {  	_ =	task [dreg:s7], $0x5FFFF  }
0xac: {  	[dreg:$0x1] =	wrdreg $0xFFFFFFFF  }
0xad: {  	[dreg:$0x0] =	wrdreg $0x60  }
0xae: {  	[dreg:$0x2] =	wrdreg s2  }
0xaf: {  	[dreg:$0x3] =	wrdreg s24  }
0xb0: {  	[dreg:$0x4] =	wrdreg $0x6F400  }
0xb1: {  	[dreg:$0x5] =	wrdreg $0x9  }
0xb2: {  	_ =	task.clear_ibuf [dreg:s7], $0x6FFFF;
	_ =	strace $0x9000004C  }
0xb3: {  	s29 =	simm.s32 $0x9;
	_ =	strace $0x8000004E  }
0xb4: {  	_ =	swait.ge [sflag:s29], $0x1  }
0xb5: {  	[sflag:s29] =	ssyncadd.s32 $0xFFFFFFFF  }
0xb6: {  	_ =	strace $0x9000004E  }
0xb7: {  	_ =	sfence  }
0xb8: {  	s30 =	sld [smem:$0x0];
	_ =	sdelay $0x2  }
0xb9: {  	s31 =	sshll.u32 s1, $0xD;
	s1 =	sshrl.u32 s1, $0x2  }
0xba: {  	s3 =	sand.u32 $0x4000, s31;
	s1 =	sadd.s32 s1, s30  }
0xbb: {  	s0 =	sor.u32 s3, s0;
	s1 =	sshll.u32 s1, $0x11  }
0xbc: {  	s0 =	sor.u32 s1, s0  }
0xbd: {  	s0 =	sadd.s32 $0x8F2B, s0  }
0xbe: {  	[sflag:s0] =	ssyncadd.remote.s32 $0x1  }
0xbf: {  	_ =	sfence.sel $0xFFFF  }
0xc0: {  	[dreg:$0x0] =	wrdreg $0xFFFFFFFF;
	(pc) =	sbr.abs _section_cstart, $3  }
0xc1: {  	[dreg:$0x1] =	wrdreg $0xFFFFFFFF  }
0xc2: {  	_ =	task.clear_ibuf [dreg:s7], $0x2FFFF;
	_ =	strace $0x9FFFFFFF  }
0xc3: {  	(tm) =	ssettm $0x7FFFFFFF  }
tec
execute0_lowered:
.L_overlay_start_1:
0x0: {  	(tag) =	ssettag $0x1  }
0x1: {  	s1 =	rddreg [dreg:$0x0]  }
0x2: {  	s0 =	srdreg.scid;
	s2 =	rddreg [dreg:$0x1]  }
0x3: {  	s14 =	stileid.u32;
	s3 =	rddreg [dreg:$0x2];
	s17 =	simm.s32 $0x7D  }
0x4: {  	s18 =	simm.s32 $0x5000;
	s20 =	simm.s32 $0x57D0;
	s22 =	simm.s32 $0x5FA0  }
0x5: {  	s28 =	simm.s32 $0x3;
	s29 =	simm.s32 $0x4;
	s30 =	simm.s32 $0x4E00  }
0x6: {  	s31 =	simm.s32 $0x4E80;
	s16 =	simm.s32 $0x0;
	s0 =	sand.u32 $0x1, s0  }
0x7: {  	s8 =	smul.u32 $0x2700, s14;
	s11 =	sadd.s32 $0x7000, s2;
	s25 =	sshll.u32 s14, $0x6  }
0x8: {  	s15 =	sadd.s32 $0x27000, s3;
	p0 =	sne.s32 s14, $0xF;
	s4 =	sshll.u32 s0, $0x4  }
0x9: {  	s6 =	ssub.s32 $0x2, s0;
	s0 =	smul.u32 $0x27100, s0;
	s15 =	sshrl.u32 @!p0 s15, $0x3  }
0xa: {  	s5 =	sor.u32 s14, s4;
	s4 =	simm.s32 $0x0;
	s24 =	sshrl.u32 s8, $0x3  }
0xb: {  	s7 =	sshrl.u32 s6, $0x1;
	s13 =	sadd.s32 s8, s3;
	s14 =	simm.s32 $0x5  }
0xc: {  	s5 =	smul.u32 $0x500, s5;
	[smem:$0x7FF] =	sst s4;
	s12 =	ssub.s32 s6, s7  }
0xd: {  	s6 =	sor.u32 $0x1C05, s25;
	s7 =	sadd.s32 $0x6E00, s2;
	s26 =	sadd.s32 s8, s0  }
0xe: {  	s0 =	sshrl.u32 s0, $0x3;
	s13 =	sshrl.u32 s13, $0x3;
	s25 =	simm.s32 $0x1  }
0xf: {  	_ =	strace $0x8000004D;
	s0 =	sadd.s32 s11, s0;
	s12 =	smax.u32 s12, $0x1  }
0x10: {  	s9 =	sadd.s32 s5, s2;
	s5 =	sadd.s32 s24, s2;
	s2 =	sshrl.u32 s26, $0x3  }
0x11: {  	s24 =	simm.s32 $0x6770;
	s26 =	simm.s32 $0x2;
	s5 =	sadd.s32 $0x2000, s5  }
0x12: {  	s8 =	sadd.s32 $0x1CC00, s9;
	s9 =	sadd.s32 $0x12C00, s9;
	s10 =	sadd.s32 s11, s2  }
0x13: {  	s11 =	sadd.s32 $0x4E00, s0;
	s2 =	simm.s32 $0x4F00;
	s0 =	simm.s32 $0x4F80  }
.LBB2_1:
0x14: {  	[spmem:s13], [sflag:s6] =	dma.local [hbm:s5], $0x4E0  }
0x15: {  	_ =	swait.ge [sflag:s14], $0x4E0  }
0x16: {  	[sflag:s14] =	ssyncset.done $0x0  }
0x17: {  	s19 =	simm.s32 @!p0 $0x5;
	[sflag:s14] =	ssyncadd.s32 $0xFFFFFB20  }
0x18: {  	[spmem:s15], [sflag:s6] =	dma.local @!p0 [hbm:s7], $0x20  }
0x19: {  	_ =	swait.ge @!p0 [sflag:s19], $0x20  }
0x1a: {  	[sflag:s19] =	ssyncset.done @!p0 $0x0  }
0x1b: {  	[sflag:s19] =	ssyncadd.s32 @!p0 $0xFFFFFFE0  }
0x1c: {  	[tilespmem:s4], [sflag:$0x5] =	stream.linear.gather [hbm4b:s8+s4], $0x2800, $0x38;
	[tilespmem:$0x9650] =	vst v63  }
0x1d: {  	_ =	swait.ge [sflag:s14], $0x2800  }
0x1e: {  	[sflag:s14] =	ssyncset.done $0x0  }
0x1f: {  	s23 =	simm.s32 $0x2800;
	[sflag:s14] =	ssyncadd.s32 $0xFFFFD800  }
0x20: {  	[tilespmem:s23], [sflag:$0x5] =	stream.linear.gather [hbm4b:s9+s4], $0x2800, $0x38;
	[tilespmem:$0x9650] =	vst v63  }
0x21: {  	_ =	swait.ge [sflag:s14], $0x2800  }
0x22: {  	[sflag:s14] =	ssyncset.done $0x0  }
0x23: {  	[sflag:s14] =	ssyncadd.s32 $0xFFFFD800  }
0x24: {  	[bflag:$0x0] =	sbarrier.arrive $0xFFFF  }
0x25: {  	[tilespmem:s18], [sflag:$0x1] =	stream.indirect.gather [hbm4b:s1+s17], $0x10, s4, s17, $0xb8;
	[tilespmem:$0x9650] =	vst v63  }
0x26: {  	s21 =	simm.s32 $0x80  }
0x27: {  	[tilespmem:s20], [sflag:$0x2] =	stream.indirect.gather [hbm4b:s1+s17], $0x10, s21, s17, $0xb8;
	[tilespmem:$0x9650] =	vst v63  }
0x28: {  	s23 =	simm.s32 $0x100  }
0x29: {  	[tilespmem:s22], [sflag:$0x3] =	stream.indirect.gather [hbm4b:s1+s17], $0x10, s23, s17, $0xb8;
	[tilespmem:$0x9650] =	vst v63  }
0x2a: {  	s21 =	simm.s32 $0x180  }
0x2b: {  	[tilespmem:s24], [sflag:$0x4] =	stream.indirect.gather [hbm4b:s1+s17], $0x10, s21, s17, $0xb8;
	[tilespmem:$0x9650] =	vst v63  }
0x2c: {  	_ =	swait.ge [sflag:s25], $0x7D0  }
0x2d: {  	[sflag:s25] =	ssyncset.done $0x0  }
0x2e: {  	s23 =	simm.s32 $0x2800;
	[sflag:s25] =	ssyncadd.s32 $0xFFFFF830  }
0x2f: {  	[spmem:s3] =	stream.indirect.scatter.add.f32 [tilespmem:s18], [sflag:$0x5], $0x10, s23, s17, $0xb8;
	[tilespmem:$0x9650] =	vst v63  }
0x30: {  	_ =	swait.ge [sflag:s14], $0x7D0  }
0x31: {  	[sflag:s14] =	ssyncset.done $0x0  }
0x32: {  	s21 =	simm.s32 $0x200;
	[sflag:s14] =	ssyncadd.s32 $0xFFFFF830  }
0x33: {  	[tilespmem:s18], [sflag:$0x1] =	stream.indirect.gather [hbm4b:s1+s17], $0x10, s21, s17, $0xb8;
	[tilespmem:$0x9650] =	vst v63  }
0x34: {  	_ =	swait.ge [sflag:s26], $0x7D0  }
0x35: {  	[sflag:s26] =	ssyncset.done $0x0  }
0x36: {  	s23 =	simm.s32 $0x2880;
	[sflag:s26] =	ssyncadd.s32 $0xFFFFF830  }
0x37: {  	[spmem:s3] =	stream.indirect.scatter.add.f32 [tilespmem:s20], [sflag:$0x5], $0x10, s23, s17, $0xb8;
	[tilespmem:$0x9650] =	vst v63  }
0x38: {  	_ =	swait.ge [sflag:s14], $0x7D0  }
0x39: {  	[sflag:s14] =	ssyncset.done $0x0  }
0x3a: {  	s21 =	simm.s32 $0x280;
	[sflag:s14] =	ssyncadd.s32 $0xFFFFF830  }
0x3b: {  	[tilespmem:s20], [sflag:$0x2] =	stream.indirect.gather [hbm4b:s1+s17], $0x10, s21, s17, $0xb8;
	[tilespmem:$0x9650] =	vst v63  }
0x3c: {  	_ =	swait.ge [sflag:s28], $0x7D0  }
0x3d: {  	[sflag:s28] =	ssyncset.done $0x0  }
0x3e: {  	s23 =	simm.s32 $0x2900;
	[sflag:s28] =	ssyncadd.s32 $0xFFFFF830  }
0x3f: {  	[spmem:s3] =	stream.indirect.scatter.add.f32 [tilespmem:s22], [sflag:$0x5], $0x10, s23, s17, $0xb8;
	[tilespmem:$0x9650] =	vst v63  }
0x40: {  	_ =	swait.ge [sflag:s14], $0x7D0  }
0x41: {  	[sflag:s14] =	ssyncset.done $0x0  }
0x42: {  	s21 =	simm.s32 $0x300;
	[sflag:s14] =	ssyncadd.s32 $0xFFFFF830  }
0x43: {  	[tilespmem:s22], [sflag:$0x3] =	stream.indirect.gather [hbm4b:s1+s17], $0x10, s21, s17, $0xb8;
	[tilespmem:$0x9650] =	vst v63  }
0x44: {  	_ =	swait.ge [sflag:s29], $0x7D0  }
0x45: {  	[sflag:s29] =	ssyncset.done $0x0  }
0x46: {  	s23 =	simm.s32 $0x2980;
	[sflag:s29] =	ssyncadd.s32 $0xFFFFF830  }
0x47: {  	[spmem:s3] =	stream.indirect.scatter.add.f32 [tilespmem:s24], [sflag:$0x5], $0x10, s23, s17, $0xb8;
	[tilespmem:$0x9650] =	vst v63  }
0x48: {  	_ =	swait.ge [sflag:s14], $0x7D0  }
0x49: {  	[sflag:s14] =	ssyncset.done $0x0  }
0x4a: {  	s19 =	simm.s32 $0x800;
	s21 =	simm.s32 $0x380;
	[sflag:s14] =	ssyncadd.s32 $0xFFFFF830  }
.LBB2_2:
0x4b: {  	[tilespmem:s24], [sflag:$0x4] =	stream.indirect.gather [hbm4b:s1+s17], $0x10, s21, s17, $0xb8;
	[tilespmem:$0x9650] =	vst v63  }
0x4c: {  	s21 =	smov.u32 s19  }
0x4d: {  	p1 =	sne.s32 s19, $0x9000;
	s19 =	sadd.s32 $0x800, s19;
	_ =	swait.ge [sflag:s25], $0x7D0  }
0x4e: {  	s21 =	sshra.s32 s21, $0x2;
	[sflag:s25] =	ssyncset.done $0x0  }
0x4f: {  	s23 =	sadd.s32 $0x2800, s21;
	[sflag:s25] =	ssyncadd.s32 $0xFFFFF830  }
0x50: {  	[spmem:s3] =	stream.indirect.scatter.add.f32 [tilespmem:s18], [sflag:$0x5], $0x10, s23, s17, $0xb8;
	[tilespmem:$0x9650] =	vst v63  }
0x51: {  	_ =	swait.ge [sflag:s14], $0x7D0  }
0x52: {  	[sflag:s14] =	ssyncset.done $0x0  }
0x53: {  	s23 =	sadd.s32 $0x200, s21;
	[sflag:s14] =	ssyncadd.s32 $0xFFFFF830  }
0x54: {  	[tilespmem:s18], [sflag:$0x1] =	stream.indirect.gather [hbm4b:s1+s17], $0x10, s23, s17, $0xb8;
	[tilespmem:$0x9650] =	vst v63  }
0x55: {  	_ =	swait.ge [sflag:s26], $0x7D0  }
0x56: {  	[sflag:s26] =	ssyncset.done $0x0  }
0x57: {  	s23 =	sadd.s32 $0x2880, s21;
	[sflag:s26] =	ssyncadd.s32 $0xFFFFF830  }
0x58: {  	[spmem:s3] =	stream.indirect.scatter.add.f32 [tilespmem:s20], [sflag:$0x5], $0x10, s23, s17, $0xb8;
	[tilespmem:$0x9650] =	vst v63  }
0x59: {  	_ =	swait.ge [sflag:s14], $0x7D0  }
0x5a: {  	[sflag:s14] =	ssyncset.done $0x0  }
0x5b: {  	s23 =	sadd.s32 $0x280, s21;
	[sflag:s14] =	ssyncadd.s32 $0xFFFFF830  }
0x5c: {  	[tilespmem:s20], [sflag:$0x2] =	stream.indirect.gather [hbm4b:s1+s17], $0x10, s23, s17, $0xb8;
	[tilespmem:$0x9650] =	vst v63  }
0x5d: {  	_ =	swait.ge [sflag:s28], $0x7D0  }
0x5e: {  	[sflag:s28] =	ssyncset.done $0x0  }
0x5f: {  	s23 =	sadd.s32 $0x2900, s21;
	[sflag:s28] =	ssyncadd.s32 $0xFFFFF830  }
0x60: {  	[spmem:s3] =	stream.indirect.scatter.add.f32 [tilespmem:s22], [sflag:$0x5], $0x10, s23, s17, $0xb8;
	[tilespmem:$0x9650] =	vst v63  }
0x61: {  	_ =	swait.ge [sflag:s14], $0x7D0  }
0x62: {  	[sflag:s14] =	ssyncset.done $0x0  }
0x63: {  	s23 =	sadd.s32 $0x300, s21;
	[sflag:s14] =	ssyncadd.s32 $0xFFFFF830  }
0x64: {  	[tilespmem:s22], [sflag:$0x3] =	stream.indirect.gather [hbm4b:s1+s17], $0x10, s23, s17, $0xb8;
	[tilespmem:$0x9650] =	vst v63  }
0x65: {  	_ =	swait.ge [sflag:s29], $0x7D0  }
0x66: {  	[sflag:s29] =	ssyncset.done $0x0  }
.Ltmp0:
0x67: {  	s23 =	sadd.s32 $0x2980, s21;
	[sflag:s29] =	ssyncadd.s32 $0xFFFFF830;
	(pc) =	sbr.rel @p1 .LBB2_2-.Ltmp0, $4  }
0x68: {  	[spmem:s3] =	stream.indirect.scatter.add.f32 [tilespmem:s24], [sflag:$0x5], $0x10, s23, s17, $0xb8;
	[tilespmem:$0x9650] =	vst v63  }
0x69: {  	_ =	swait.ge [sflag:s14], $0x7D0  }
0x6a: {  	[sflag:s14] =	ssyncset.done $0x0  }
0x6b: {  	s21 =	sadd.s32 $0x380, s21;
	[sflag:s14] =	ssyncadd.s32 $0xFFFFF830  }
0x6c: {  	[tilespmem:s24], [sflag:$0x4] =	stream.indirect.gather [hbm4b:s1+s17], $0x10, s21, s17, $0xb8;
	[tilespmem:$0x9650] =	vst v63  }
0x6d: {  	_ =	swait.ge [sflag:s25], $0x7D0  }
0x6e: {  	[sflag:s25] =	ssyncset.done $0x0  }
0x6f: {  	[sflag:s25] =	ssyncadd.s32 $0xFFFFF830  }
0x70: {  	[spmem:s3] =	stream.indirect.scatter.add.f32 [tilespmem:s18], [sflag:$0x5], $0x10, s30, s17, $0xb8;
	[tilespmem:$0x9650] =	vst v63  }
0x71: {  	_ =	swait.ge [sflag:s14], $0x7D0  }
0x72: {  	[sflag:s14] =	ssyncset.done $0x0  }
0x73: {  	[sflag:s14] =	ssyncadd.s32 $0xFFFFF830  }
0x74: {  	_ =	swait.ge [sflag:s26], $0x7D0  }
0x75: {  	[sflag:s26] =	ssyncset.done $0x0  }
0x76: {  	[sflag:s26] =	ssyncadd.s32 $0xFFFFF830  }
0x77: {  	[spmem:s3] =	stream.indirect.scatter.add.f32 [tilespmem:s20], [sflag:$0x5], $0x10, s31, s17, $0xb8;
	[tilespmem:$0x9650] =	vst v63  }
0x78: {  	_ =	swait.ge [sflag:s14], $0x7D0  }
0x79: {  	[sflag:s14] =	ssyncset.done $0x0  }
0x7a: {  	[sflag:s14] =	ssyncadd.s32 $0xFFFFF830  }
0x7b: {  	_ =	swait.ge [sflag:s28], $0x7D0  }
0x7c: {  	[sflag:s28] =	ssyncset.done $0x0  }
0x7d: {  	[sflag:s28] =	ssyncadd.s32 $0xFFFFF830  }
0x7e: {  	[spmem:s3] =	stream.indirect.scatter.add.f32 [tilespmem:s22], [sflag:$0x5], $0x10, s2, s17, $0xb8;
	[tilespmem:$0x9650] =	vst v63  }
0x7f: {  	_ =	swait.ge [sflag:s14], $0x7D0  }
0x80: {  	[sflag:s14] =	ssyncset.done $0x0  }
0x81: {  	[sflag:s14] =	ssyncadd.s32 $0xFFFFF830  }
0x82: {  	_ =	swait.ge [sflag:s29], $0x7D0  }
0x83: {  	[sflag:s29] =	ssyncset.done $0x0  }
0x84: {  	[sflag:s29] =	ssyncadd.s32 $0xFFFFF830  }
0x85: {  	[spmem:s3] =	stream.indirect.scatter.add.f32 [tilespmem:s24], [sflag:$0x5], $0x10, s0, s17, $0xb8;
	[tilespmem:$0x9650] =	vst v63  }
0x86: {  	_ =	swait.ge [sflag:s14], $0x7D0  }
0x87: {  	[sflag:s14] =	ssyncset.done $0x0  }
0x88: {  	[sflag:s14] =	ssyncadd.s32 $0xFFFFF830  }
0x89: {  	[bflag:$0x0] =	sbarrier.arrive $0xFFFF  }
0x8a: {  	[hbm:s10], [sflag:s6] =	dma.local [spmem:s13], $0x4E0  }
0x8b: {  	s16 =	sadd.s32 $0x1, s16;
	_ =	swait.ge [sflag:s14], $0x4E0  }
0x8c: {  	p1 =	sne.s32 s16, s12;
	[sflag:s14] =	ssyncset.done $0x0  }
.Ltmp1:
0x8d: {  	s19 =	simm.s32 @!p0 $0x5;
	[sflag:s14] =	ssyncadd.s32 $0xFFFFFB20;
	(pc) =	sbr.rel @p1 .LBB2_1-.Ltmp1, $4  }
0x8e: {  	[hbm:s11], [sflag:s6] =	dma.local @!p0 [spmem:s15], $0x20  }
0x8f: {  	_ =	swait.ge @!p0 [sflag:s19], $0x20  }
0x90: {  	[sflag:s19] =	ssyncset.done @!p0 $0x0  }
0x91: {  	[sflag:s19] =	ssyncadd.s32 @!p0 $0xFFFFFFE0  }
0x92: {  	_ =	sfence.sel $0x180000  }
0x93: {  	[bflag:$0x0] =	sbarrier.arrive $0xFFFF  }
0x94: {  	_ =	strace $0x9000004D  }
0x95: {  	s0 =	stileid.u32;
	[bflag:$0x2] =	sbarrier.arrive $0xFFFF  }
0x96: {  	p0 =	sne.s32 s0, $0x0;
	s0 =	rddreg [dreg:$0x3]  }
0x97: {  	s0 =	sadd.s32 @!p0 $0x100000, s0  }
0x98: {  	[sflag:s0] =	ssyncadd.tile.s32 @!p0 $0x1;
	_ =	shalt  }
.Lfunc_end2:
_tile_overlayer_lowered:
.L_overlay_start_2:
0x99: {  	(tag) =	ssettag $0x2  }
0x9a: {  	s0 =	rddreg [dreg:$0x0];
	s2 =	stileid.u32  }
0x9b: {  	s1 =	rddreg [dreg:$0x1];
	p0 =	sne.s32 s2, $0x0  }
0x9c: {  	s3 =	rddreg [dreg:$0x2];
	[bflag:$0x3] =	sbarrier.arrive $0xFFFF;
	s2 =	simm.s32 @!p0 $0x1C05  }
0x9d: {  	[timem:s3], [sflag:s2] =	dma.local @!p0 [hbm:s0], s1  }
0x9e: {  	s0 =	simm.s32 @!p0 $0x5  }
0x9f: {  	_ =	swait.ge @!p0 [sflag:s0], s1  }
0xa0: {  	s1 =	ssub.s32 @!p0 $0x0, s1;
	[sflag:s0] =	ssyncset.done @!p0 $0x0  }
0xa1: {  	[sflag:s0] =	ssyncadd.s32 @!p0 s1  }
0xa2: {  	[bflag:$0x3] =	sbarrier.arrive $0xFFFF  }
0xa3: {  	_ =	shalt  }

// kernel: kernel.9.cloned.1.call-start
scs
__scs_entry_jumppad:
0x0: {  	(pc) =	sbr.rel $0x88, $3  }
0x1: {  	(tag) =	ssettag $0x0;
	lr =	simm.s32 $0x1  }
0x2: {  	[smem:$0x3F9D] =	sst lr;
	_ =	strace $0xD0000000  }
0x3: {  	_ = 	snop  }
0x4: {  	_ = 	snop  }
0x5: {  	_ = 	snop  }
0x6: {  	_ = 	snop  }
0x7: {  	_ = 	snop  }
__scs_overlays_trampoline_lowered:
0x8: {  	[smem:$0x3FAC] =	sst s0  }
0x9: {  	[smem:$0x3FAD] =	sst s1  }
0xa: {  	[smem:$0x3FAE] =	sst s2  }
0xb: {  	[smem:$0x3FAF] =	sst s3  }
0xc: {  	[smem:$0x3FB0] =	sst s4  }
0xd: {  	[smem:$0x3FB1] =	sst s5  }
0xe: {  	[smem:$0x3FB2] =	sst s6  }
0xf: {  	[smem:$0x3FB3] =	sst s7  }
0x10: {  	[smem:$0x3FB4] =	sst s8  }
0x11: {  	[smem:$0x3FB5] =	sst s9;
	s0 =	simm.s32 @!p0 $0x0  }
0x12: {  	s1 =	sld [smem:$0x3F9B];
	s0 =	simm.s32 @p0 $0x1  }
0x13: {  	[smem:$0x3FB6] =	sst s0;
	s0 =	simm.s32 @!p1 $0x0  }
0x14: {  	s2 =	sld [smem:$0x3F9A];
	s0 =	simm.s32 @p1 $0x1  }
0x15: {  	[smem:$0x3FB7] =	sst s0;
	s0 =	simm.s32 @!p2 $0x0  }
0x16: {  	s3 =	sld [smem:$0x3FDB];
	s0 =	simm.s32 @p2 $0x1  }
0x17: {  	s4 =	simm.s32 $0x1BF5;
	[smem:$0x3FB9] =	sst s0  }
0x18: {  	s0 =	sld [smem:$0x3F9C];
	_ =	swait.ge [sflag:s4], $0x0  }
0x19: {  	s7 =	sld [smem:$0x3F9D]  }
0x1a: {  	s8 =	sadd.s32 $0xFFFFE003, lr  }
0x1b: {  	s9 =	sadd.s32 $0xFFFFFEF7, lr;
	s5 =	simm.s32 $0xFFFFFFFF;
	p2 =	slt.u32 s8, $0xFFFFF086  }
0x1c: {  	p1 =	slt.u32 s9, $0xF7A;
	s5 =	simm.s32 @!p2 $0x0  }
0x1d: {  	s5 =	simm.s32 @p1 $0x1;
	p0 =	seq.s32 s7, s2  }
0x1e: {  	s7 =	smul.u32 @!p0 $0xF7A, s2;
	p2 =	seq.s32 @!p0 s5, $0x0  }
0x1f: {  	s9 =	smul.u32 $0xF7A, s1;
	s8 =	simm.s32 @!p0 $0x1BF5;
	p2 =	por !p2, p0  }
0x20: {  	[sflag:s8] =	ssyncset.s32 @!p0 $0xFFFFF086;
	s6 =	sadd.s32 @!p0 s3, s7;
	s7 =	simm.s32 @!p0 $0x108  }
0x21: {  	s3 =	sadd.s32 s3, s9;
	s6 =	sadd.s32 @!p0 $0x88, s6;
	s7 =	simm.s32 @p2 $0x1082  }
0x22: {  	[simem:s7], [sflag:s8] =	dma.local @!p0 [hbm:s6], $0xF7A  }
0x23: {  	s9 =	sor.u32 $0xD0000000, s2;
	s6 =	simm.s32 $0x108;
	_ =	swait.ge @!p0 [sflag:s8], $0x0  }
0x24: {  	s3 =	sadd.s32 $0x88, s3;
	s6 =	simm.s32 @!p1 $0x1082;
	[sflag:s4] =	ssyncset.s32 $0xFFFFF086  }
0x25: {  	[simem:s6], [sflag:s4] =	dma.local [hbm:s3], $0xF7A  }
0x26: {  	[smem:$0x3F9D] =	sst s1;
	(tag) =	ssettag s2;
	_ =	strace s9  }
0x27: {  	s1 =	sld [smem:$0x3FAD]  }
0x28: {  	s2 =	sld [smem:$0x3FAE]  }
0x29: {  	s4 =	sld [smem:$0x3FB0]  }
0x2a: {  	p0 =	seq.s32 s5, $0x0;
	s5 =	sld [smem:$0x3FB1]  }
0x2b: {  	s6 =	sld [smem:$0x3FB2]  }
0x2c: {  	s7 =	sld [smem:$0x3FB3]  }
0x2d: {  	s3 =	simm.s32 $0x108;
	s8 =	sld [smem:$0x3FB4]  }
0x2e: {  	s3 =	simm.s32 @!p0 $0x1082;
	s9 =	sld [smem:$0x3FB5]  }
0x2f: {  	lr =	sadd.s32 s0, s3;
	s0 =	sld [smem:$0x3FAC]  }
0x30: {  	s3 =	sld [smem:$0x3FAF]  }
0x31: {  	[smem:$0x3FB8] =	sst s10  }
0x32: {  	s10 =	sld [smem:$0x3FB6];
	_ =	sdelay $0x3  }
0x33: {  	p0 =	seq.s32 s10, $0x1;
	s10 =	sld [smem:$0x3FB8];
	_ =	sdelay $0x3  }
0x34: {  	[smem:$0x3FB8] =	sst s10  }
0x35: {  	s10 =	sld [smem:$0x3FB7];
	_ =	sdelay $0x3  }
0x36: {  	p1 =	seq.s32 s10, $0x1;
	s10 =	sld [smem:$0x3FB8];
	_ =	sdelay $0x3  }
0x37: {  	[smem:$0x3FB8] =	sst s10  }
0x38: {  	s10 =	sld [smem:$0x3FB9]  }
0x39: {  	_ = 	snop;
	(pc) =	sbr.ind lr, $3  }
0x3a: {  	_ = 	snop  }
0x3b: {  	_ = 	snop  }
0x3c: {  	p2 =	seq.s32 s10, $0x1;
	s10 =	sld [smem:$0x3FB8]  }
0x3d: {  	_ =	shalt  }
0x3e: {  	_ =	shalt  }
0x3f: {  	_ =	shalt  }
0x40: {  	_ =	shalt  }
0x41: {  	_ =	shalt  }
0x42: {  	_ =	shalt  }
0x43: {  	_ =	shalt  }
0x44: {  	_ =	shalt  }
0x45: {  	_ =	shalt  }
0x46: {  	_ =	shalt  }
0x47: {  	_ =	shalt  }
0x48: {  	_ =	shalt  }
0x49: {  	_ =	shalt  }
0x4a: {  	_ =	shalt  }
0x4b: {  	_ =	shalt  }
0x4c: {  	_ =	shalt  }
0x4d: {  	_ =	shalt  }
0x4e: {  	_ =	shalt  }
0x4f: {  	_ =	shalt  }
0x50: {  	_ =	shalt  }
0x51: {  	_ =	shalt  }
0x52: {  	_ =	shalt  }
0x53: {  	_ =	shalt  }
0x54: {  	_ =	shalt  }
0x55: {  	_ =	shalt  }
0x56: {  	_ =	shalt  }
0x57: {  	_ =	shalt  }
0x58: {  	_ =	shalt  }
0x59: {  	_ =	shalt  }
0x5a: {  	_ =	shalt  }
0x5b: {  	_ =	shalt  }
0x5c: {  	_ =	shalt  }
0x5d: {  	_ =	shalt  }
0x5e: {  	_ =	shalt  }
0x5f: {  	_ =	shalt  }
0x60: {  	_ =	shalt  }
0x61: {  	_ =	shalt  }
0x62: {  	_ =	shalt  }
0x63: {  	_ =	shalt  }
0x64: {  	_ =	shalt  }
0x65: {  	_ =	shalt  }
0x66: {  	_ =	shalt  }
0x67: {  	_ =	shalt  }
0x68: {  	_ =	shalt  }
0x69: {  	_ =	shalt  }
0x6a: {  	_ =	shalt  }
0x6b: {  	_ =	shalt  }
0x6c: {  	_ =	shalt  }
0x6d: {  	_ =	shalt  }
0x6e: {  	_ =	shalt  }
0x6f: {  	_ =	shalt  }
0x70: {  	_ =	shalt  }
0x71: {  	_ =	shalt  }
0x72: {  	_ =	shalt  }
0x73: {  	_ =	shalt  }
0x74: {  	_ =	shalt  }
0x75: {  	_ =	shalt  }
0x76: {  	_ =	shalt  }
0x77: {  	_ =	shalt  }
0x78: {  	_ =	shalt  }
0x79: {  	_ =	shalt  }
0x7a: {  	_ =	shalt  }
0x7b: {  	_ =	shalt  }
0x7c: {  	_ =	shalt  }
0x7d: {  	_ =	shalt  }
0x7e: {  	_ =	shalt  }
0x7f: {  	_ =	shalt  }
0x80: {  	_ =	shalt  }
0x81: {  	_ =	shalt  }
0x82: {  	_ =	shalt  }
0x83: {  	_ =	shalt  }
0x84: {  	_ =	shalt  }
0x85: {  	_ =	shalt  }
0x86: {  	_ =	shalt  }
0x87: {  	_ =	shalt  }
.Lfunc_end0:
.L_simem_size_0:
called_computation_lowered:
.L_overlay_start_0:
0x88: {  	s2 =	sld [smem:$0x3FD9]  }
0x89: {  	s3 =	sld [smem:$0x3FFE];
	_ =	sdelay $0x1  }
0x8a: {  	s1 =	srdreg.scid  }
0x8b: {  	s0 =	sand.u32 $0x1, s1  }
0x8c: {  	s17 =	sshll.u32 s0, $0xA;
	s2 =	sadd.s32 s3, s2  }
0x8d: {  	s2 =	sadd.s32 s2, s17  }
0x8e: {  	[smem:$0x3FC4] =	sst s2  }
0x8f: {  	_ = 	snop  }
0x90: {  	s2 =	sld [smem:$0x3FD0];
	(tm) =	ssettm $0x1  }
0x91: {  	s18 =	sld [smem:$0x3FFB];
	_ =	sdelay $0x3  }
0x92: {  	_ =	strace s18  }
0x93: {  	s3 =	sld [smem:$0x3FFC];
	_ =	sdelay $0x3  }
0x94: {  	_ =	strace s3  }
0x95: {  	s3 =	sld [smem:$0x3FFD];
	_ =	sdelay $0x3  }
0x96: {  	_ =	strace s3  }
0x97: {  	_ =	strace $0x8FFFFFFF  }
0x98: {  	s19 =	sld [smem:$0x3FDB];
	_ =	sdelay $0x1  }
0x99: {  	s4 =	simm.s32 $_scs_section_size  }
0x9a: {  	s5 =	simm.s32 $_size__tile_overlayer_lowered;
	s6 =	simm.s32 $_tile_overlayer_lowered  }
0x9b: {  	s22 =	simm.s32 $0x1BFF;
	s21 =	sshll.u32 s6, $0x1;
	s3 =	sadd.s32 s4, s19  }
0x9c: {  	s7 =	simm.s32 $0x0;
	s20 =	sshll.u32 s5, $0x1;
	s5 =	sadd.s32 s21, s3  }
0x9d: {  	[timem:s7], [sflag:s22] =	dma.local [hbm:s5], s20  }
0x9e: {  	_ =	swait.ge [sflag:s22], s20  }
0x9f: {  	s4 =	ssub.s32 $0x0, s20;
	[sflag:s22] =	ssyncset.done $0x0  }
0xa0: {  	[sflag:s22] =	ssyncadd.s32 s4;
	_ =	sdelay $0x1  }
0xa1: {  	s23 =	simm.s32 $0x1B8B  }
0xa2: {  	_ =	swait.ge [sflag:s23], $0x1  }
0xa3: {  	[sflag:s23] =	ssyncset.done $0x0  }
0xa4: {  	s25 =	simm.s32 $0x1B8E;
	s24 =	sld [smem:$0x3FFE];
	[sflag:s23] =	ssyncadd.s32 $0xFFFFFFFF  }
0xa5: {  	s26 =	simm.s32 $execute0_lowered;
	[smem:$0x3FD2] =	sst s25  }
0xa6: {  	s5 =	sshll.u32 s26, $0x1;
	_ =	strace $0x80000046;
	[dreg:$0x1] =	wrdreg $0xFFFFFFFF  }
0xa7: {  	s28 =	simm.s32 $_size_execute0_lowered;
	s3 =	sadd.s32 s3, s5;
	[dreg:$0x0] =	wrdreg $0x0  }
0xa8: {  	s5 =	sshll.u32 s28, $0x1;
	[dreg:$0x2] =	wrdreg s3  }
0xa9: {  	[dreg:$0x3] =	wrdreg s5  }
0xaa: {  	[dreg:$0x4] =	wrdreg $0xC0  }
0xab: {  	_ =	task [dreg:s7], $0x5FFFF  }
0xac: {  	[dreg:$0x1] =	wrdreg $0xFFFFFFFF  }
0xad: {  	[dreg:$0x0] =	wrdreg $0x60  }
0xae: {  	[dreg:$0x2] =	wrdreg s24  }
0xaf: {  	[dreg:$0x3] =	wrdreg s2  }
0xb0: {  	[dreg:$0x4] =	wrdreg $0x40800  }
0xb1: {  	[dreg:$0x5] =	wrdreg $0x9  }
0xb2: {  	_ =	task.clear_ibuf [dreg:s7], $0x6FFFF;
	_ =	strace $0x90000046  }
0xb3: {  	s29 =	simm.s32 $0x9;
	_ =	strace $0x80000048  }
0xb4: {  	_ =	swait.ge [sflag:s29], $0x1  }
0xb5: {  	[sflag:s29] =	ssyncadd.s32 $0xFFFFFFFF  }
0xb6: {  	_ =	strace $0x90000048  }
0xb7: {  	_ =	sfence  }
0xb8: {  	s30 =	sld [smem:$0x0];
	_ =	sdelay $0x2  }
0xb9: {  	s31 =	sshll.u32 s1, $0xD;
	s1 =	sshrl.u32 s1, $0x2  }
0xba: {  	s3 =	sand.u32 $0x4000, s31;
	s1 =	sadd.s32 s1, s30  }
0xbb: {  	s0 =	sor.u32 s3, s0;
	s1 =	sshll.u32 s1, $0x11  }
0xbc: {  	s0 =	sor.u32 s1, s0  }
0xbd: {  	s0 =	sadd.s32 $0x8F2B, s0  }
0xbe: {  	[sflag:s0] =	ssyncadd.remote.s32 $0x1  }
0xbf: {  	_ =	sfence.sel $0xFFFF  }
0xc0: {  	[dreg:$0x0] =	wrdreg $0xFFFFFFFF;
	(pc) =	sbr.abs _section_cstart, $3  }
0xc1: {  	[dreg:$0x1] =	wrdreg $0xFFFFFFFF  }
0xc2: {  	_ =	task.clear_ibuf [dreg:s7], $0x2FFFF;
	_ =	strace $0x9FFFFFFF  }
0xc3: {  	(tm) =	ssettm $0x7FFFFFFF  }
tec
execute0_lowered:
.L_overlay_start_1:
0x0: {  	(tag) =	ssettag $0x1  }
0x1: {  	s5 =	rddreg [dreg:$0x0]  }
0x2: {  	s1 =	rddreg [dreg:$0x1]  }
0x3: {  	s2 =	rddreg [dreg:$0x2]  }
0x4: {  	s0 =	rddreg [dreg:$0x3]  }
0x5: {  	s3 =	simm.s32 $0x0;
	s10 =	stileid.u32;
	s4 =	srdreg.scid  }
0x6: {  	s15 =	simm.s32 $0x0;
	[smem:$0x7FF] =	sst s3;
	s6 =	sshll.u32 s10, $0xB  }
0x7: {  	s7 =	sand.u32 $0x1, s4;
	s4 =	sadd.s32 $0x12000, s5;
	p0 =	seq.s32 s10, $0x0  }
0x8: {  	_ =	strace $0x80000047;
	s6 =	sadd.s32 s6, s5;
	s8 =	ssub.s32 $0x2, s7  }
0x9: {  	s5 =	sadd.s32 $0x12600, s5;
	s11 =	sshll.u32 s7, $0xF;
	p1 =	seq.s32 s7, $0x1  }
0xa: {  	s31 =	sor.u32 s7, s10;
	s9 =	sshrl.u32 s8, $0x1;
	s6 =	sadd.s32 s11, s6  }
0xb: {  	p0 =	por !p0, !p1;
	p2 =	sne.s32 s31, $0x0;
	s11 =	simm.s32 $0x4000  }
0xc: {  	s8 =	ssub.s32 s8, s9;
	s6 =	sadd.s32 $0x2000, s6;
	p1 =	por !p0, !p0  }
0xd: {  	p0 =	sne.s32 s10, $0x0;
	s9 =	simm.s32 $0x1;
	s12 =	sshll.u32 @!p2 s10, $0x6  }
0xe: {  	s10 =	simm.s32 $0x50;
	s13 =	sshrl.u32 @!p2 s2, $0x3;
	s7 =	smax.u32 s8, $0x1  }
0xf: {  	v0 =	vimm.f32 $1.000000000e+00;
	s8 =	sshrl.u32 @!p0 s2, $0x3;
	s12 =	sor.u32 @!p2 $0x1C01, s12;
	s14 =	sshrl.u32 @p1 s2, $0x3  }
.LBB2_1:
0x10: {  	s16 =	simm.s32 @!p0 $0x1C01  }
0x11: {  	[spmem:s8], [sflag:s16] =	dma.local @!p0 [hbm:s1], $0x4F0  }
0x12: {  	s16 =	simm.s32 @!p0 $0x1  }
0x13: {  	_ =	swait.ge @!p0 [sflag:s16], $0x4F0  }
0x14: {  	[sflag:s16] =	ssyncset.done @!p0 $0x0  }
0x15: {  	[sflag:s16] =	ssyncadd.s32 @!p0 $0xFFFFFB10  }
0x16: {  	[tilespmem:$0x4000] =	vst v0  }
0x17: {  	[tilespmem:$0x4010] =	vst v0  }
0x18: {  	[tilespmem:$0x4020] =	vst v0  }
0x19: {  	[tilespmem:$0x4030] =	vst v0  }
0x1a: {  	[tilespmem:$0x4040] =	vst v0  }
0x1b: {  	[tilespmem:s3], [sflag:$0x1] =	stream.linear.gather [hbm4b:s6+s3], $0x3E80, $0x38;
	[tilespmem:$0x42F8] =	vst v63  }
0x1c: {  	_ =	swait.ge [sflag:s9], $0x3E80  }
0x1d: {  	[sflag:s9] =	ssyncset.done $0x0  }
0x1e: {  	[sflag:s9] =	ssyncadd.s32 $0xFFFFC180  }
0x1f: {  	s31 =	simm.s32 $0x0;
	[bflag:$0x0] =	sbarrier.arrive $0xFFFF  }
0x20: {  	[spmem:s2] =	stream.indirect.scatter.add.f32 [tilespmem:s11], [sflag:$0x1], $0x1, s31, s10, $0xb8;
	[tilespmem:$0x42F8] =	vst v63  }
0x21: {  	_ =	swait.ge [sflag:s9], $0x50  }
0x22: {  	s16 =	simm.s32 $0x200;
	[sflag:s9] =	ssyncset.done $0x0  }
.LBB2_2:
0x23: {  	s17 =	sshra.s32 s16, $0x2;
	[sflag:s9] =	ssyncadd.s32 $0xFFFFFFB0;
	p3 =	sne.s32 s16, $0xF800  }
0x24: {  	[spmem:s2] =	stream.indirect.scatter.add.f32 [tilespmem:s11], [sflag:$0x1], $0x1, s17, s10, $0xb8;
	[tilespmem:$0x42F8] =	vst v63  }
.Ltmp0:
0x25: {  	_ = 	snop;
	(pc) =	sbr.rel @p3 .LBB2_2-.Ltmp0, $4  }
0x26: {  	_ = 	snop  }
0x27: {  	s16 =	sadd.s32 $0x200, s16  }
0x28: {  	_ =	swait.ge [sflag:s9], $0x50  }
0x29: {  	[sflag:s9] =	ssyncset.done $0x0  }
0x2a: {  	[sflag:s9] =	ssyncadd.s32 $0xFFFFFFB0  }
0x2b: {  	s16 =	simm.s32 @!p2 $0x1;
	[bflag:$0x0] =	sbarrier.arrive $0xFFFF  }
0x2c: {  	[hbm:s4], [sflag:s12] =	dma.local @!p2 [spmem:s13], $0x4F0  }
0x2d: {  	_ =	swait.ge @!p2 [sflag:s16], $0x4F0  }
0x2e: {  	s15 =	sadd.s32 $0x1, s15;
	[sflag:s16] =	ssyncset.done @!p2 $0x0  }
0x2f: {  	p3 =	sne.s32 s15, s7;
	[sflag:s16] =	ssyncadd.s32 @!p2 $0xFFFFFB10;
	s16 =	simm.s32 @p1 $0x1C01  }
0x30: {  	[hbm:s5], [sflag:s16] =	dma.local @p1 [spmem:s14], $0x4F0  }
.Ltmp1:
0x31: {  	_ = 	snop;
	(pc) =	sbr.rel @p3 .LBB2_1-.Ltmp1, $4  }
0x32: {  	s16 =	simm.s32 @p1 $0x1  }
0x33: {  	_ =	swait.ge @p1 [sflag:s16], $0x4F0  }
0x34: {  	[sflag:s16] =	ssyncset.done @p1 $0x0  }
0x35: {  	[sflag:s16] =	ssyncadd.s32 @p1 $0xFFFFFB10  }
0x36: {  	_ =	sfence.sel $0x180000  }
0x37: {  	[bflag:$0x0] =	sbarrier.arrive $0xFFFF  }
0x38: {  	_ =	strace $0x90000047  }
0x39: {  	s0 =	sadd.s32 @!p0 $0x100000, s0;
	[bflag:$0x2] =	sbarrier.arrive $0xFFFF  }
0x3a: {  	[sflag:s0] =	ssyncadd.tile.s32 @!p0 $0x1;
	_ =	shalt  }
.Lfunc_end2:
_tile_overlayer_lowered:
.L_overlay_start_2:
0x3b: {  	(tag) =	ssettag $0x2  }
0x3c: {  	s0 =	rddreg [dreg:$0x0];
	s2 =	stileid.u32  }
0x3d: {  	s1 =	rddreg [dreg:$0x1];
	p0 =	sne.s32 s2, $0x0  }
0x3e: {  	s3 =	rddreg [dreg:$0x2];
	[bflag:$0x3] =	sbarrier.arrive $0xFFFF;
	s2 =	simm.s32 @!p0 $0x1C01  }
0x3f: {  	[timem:s3], [sflag:s2] =	dma.local @!p0 [hbm:s0], s1  }
0x40: {  	s0 =	simm.s32 @!p0 $0x1  }
0x41: {  	_ =	swait.ge @!p0 [sflag:s0], s1  }
0x42: {  	s1 =	ssub.s32 @!p0 $0x0, s1;
	[sflag:s0] =	ssyncset.done @!p0 $0x0  }
0x43: {  	[sflag:s0] =	ssyncadd.s32 @!p0 s1  }
0x44: {  	[bflag:$0x3] =	sbarrier.arrive $0xFFFF  }
0x45: {  	_ =	shalt  }

</sc_bundles>
